<compile_context>
chip_gen: v7x
topology: tpu7x:2x2x1
jax: 0.10.2.dev20260603
libtpu: 0.0.44.dev20260713+nightly
codegen_flags: <defaults>
</compile_context>

<pallas_src>
import functools

import jax
import jax.numpy as jnp
import numpy as np
from jax import lax
from jax.experimental import pallas as pl
from jax.experimental.pallas import tpu as pltpu
from jax.experimental.pallas import tpu_sc as plsc

B = 128
N = 32768
K = 64
NL = 16
NV = N // NL
NW = 32
RPW = B // NW
NBINS = 256
HWORDS = NBINS * NL
CANDN = N + NL

_SGN = np.int32(-2147483648)
_M31 = np.int32(0x7FFFFFFF)


def _body(x_hbm, out_hbm, keys_v, cand_v, hist_v):
    wid = lax.axis_index("s") * 2 + lax.axis_index("c")
    lane = lax.iota(jnp.int32, NL)
    lane_off = lane * NBINS
    ones = jnp.ones((NL,), jnp.int32)
    zeros16 = jnp.zeros((NL,), jnp.int32)

    def zero_hist():
        @plsc.parallel_loop(0, HWORDS // NL, unroll=8)
        def _(i):
            hist_v[pl.ds(i * NL, NL)] = zeros16

    def select_level(a0):
        def sbody(tr, carry):
            a, found, bin_sel, eq_cnt = carry
            t = 15 - tr
            acc = zeros16
            for l in range(NL):
                acc = acc + hist_v[pl.ds(l * NBINS + t * NL, NL)]
            rev = lax.rev(acc, (0,))
            ics = plsc.cumsum(rev)
            tot = jnp.sum(acc)
            cond = (found == 0) & (a + tot >= K)
            hit = (a + ics) >= K
            j = jnp.max(plsc.all_reduce_ffs(hit))
            selj = jnp.sum(jnp.where(lane == j, rev, jnp.int32(0)))
            icsj = jnp.sum(jnp.where(lane == j, ics, jnp.int32(0)))
            bin_t = t * NL + (NL - 1) - j
            a_new = jnp.where(
                cond, a + icsj - selj,
                jnp.where(found == 1, a, a + tot))
            return (a_new,
                    jnp.where(cond, jnp.int32(1), found),
                    jnp.where(cond, bin_t, bin_sel),
                    jnp.where(cond, selj, eq_cnt))
        init = (a0, jnp.int32(0), jnp.int32(0), jnp.int32(0))
        a, _, bin_sel, eq_cnt = lax.fori_loop(0, NL, sbody, init)
        return a, bin_sel, eq_cnt

    def row_body(r, c):
        row = wid * RPW + r
        pltpu.sync_copy(x_hbm.at[row], keys_v)

        zero_hist()

        @plsc.parallel_loop(0, NV, unroll=4)
        def _(i):
            b = keys_v[pl.ds(i * NL, NL)]
            uk = b ^ ((b >> 31) | _SGN)
            keys_v[pl.ds(i * NL, NL)] = uk
            bin0 = lax.shift_right_logical(uk, 24)
            plsc.addupdate_scatter(hist_v, [lane_off + bin0], ones)

        a, b0, cnt0 = select_level(jnp.int32(0))

        @plsc.parallel_loop(0, NV, unroll=4, carry=jnp.int32(0))
        def _(i, off):
            uk = keys_v[pl.ds(i * NL, NL)]
            m = lax.shift_right_logical(uk, 24) == b0
            plsc.store_compressed(cand_v.at[pl.ds(off, NL)], uk, mask=m)
            return off + plsc.all_reduce_population_count(m)[0]

        nvc = (cnt0 + NL - 1) // NL
        prefix = b0
        eq_cnt = cnt0
        for sh in (16, 8, 0):
            zero_hist()
            psh = sh + 8

            def hl(i, cc, _sh=sh, _psh=psh, _prefix=prefix):
                uk = cand_v[pl.ds(i * NL, NL)]
                lb = (i * NL + lane) < cnt0
                pm = lb & (lax.shift_right_logical(uk, _psh) == _prefix)
                binv = lax.shift_right_logical(uk, _sh) & jnp.int32(0xFF)
                plsc.addupdate_scatter(hist_v, [lane_off + binv], ones,
                                       mask=pm)
                return cc
            lax.fori_loop(0, nvc, hl, jnp.int32(0))
            a, bsel, eq_cnt = select_level(a)
            prefix = prefix * 256 + bsel

        t_s = prefix ^ _SGN
        need_eq = K - a

        def cut_fast(_):
            return jnp.int32(N - 1)

        def cut_ties(_):
            def ct(i, carry):
                cnt, cidx, found = carry
                sk = keys_v[pl.ds(i * NL, NL)] ^ _SGN
                eq = sk == t_s
                eqi = jnp.where(eq, jnp.int32(1), jnp.int32(0))
                ics = plsc.cumsum(eqi)
                hit = eq & ((cnt + ics) == need_eq)
                j = jnp.max(plsc.all_reduce_ffs(hit))
                here = (found == 0) & (cnt + jnp.sum(eqi) >= need_eq)
                return (cnt + jnp.sum(eqi),
                        jnp.where(here, i * NL + j, cidx),
                        jnp.where(here, jnp.int32(1), found))
            _, cidx, _ = lax.fori_loop(
                0, NV, ct, (jnp.int32(0), jnp.int32(N - 1), jnp.int32(0)))
            return cidx

        c_idx = lax.cond(eq_cnt == need_eq, cut_fast, cut_ties,
                         jnp.int32(0))

        cand_v[pl.ds(0, NL)] = jnp.where(
            lane == 0, t_s, jnp.where(lane == 1, c_idx, jnp.int32(0)))
        pltpu.sync_copy(cand_v.at[pl.ds(0, 128)], out_hbm.at[row])
        return c

    lax.fori_loop(0, RPW, row_body, jnp.int32(0))


_topk_mask_sc = functools.partial(
    pl.kernel,
    out_type=jax.ShapeDtypeStruct((B, 128), jnp.int32),
    mesh=plsc.VectorSubcoreMesh(core_axis_name="c", subcore_axis_name="s"),
    compiler_params=pltpu.CompilerParams(needs_layout_passes=False),
    scratch_types=[
        pltpu.VMEM((N,), jnp.int32),
        pltpu.VMEM((CANDN,), jnp.int32),
        pltpu.VMEM((HWORDS,), jnp.int32),
    ],
)(_body)


_TBR = 32


def _tc_mark_body(x_ref, p_ref, o_ref):
    b = x_ref[...]
    sk = b ^ ((b >> 31) & _M31)
    t = p_ref[:, 0:1]
    cx = p_ref[:, 1:2]
    idx = lax.broadcasted_iota(jnp.int32, b.shape, 1)
    m = (sk > t) | ((sk == t) & (idx <= cx))
    o_ref[...] = m.astype(jnp.int8)


_tc_mark = pl.pallas_call(
    _tc_mark_body,
    grid=(B // _TBR,),
    in_specs=[pl.BlockSpec((_TBR, N), lambda i: (i, 0)),
              pl.BlockSpec((_TBR, 128), lambda i: (i, 0))],
    out_specs=pl.BlockSpec((_TBR, N), lambda i: (i, 0)),
    out_shape=jax.ShapeDtypeStruct((B, N), jnp.int8),
)


@jax.jit
def kernel(slot_scores):
    bits = lax.bitcast_convert_type(slot_scores, jnp.int32)
    params = _topk_mask_sc(bits)
    return _tc_mark(bits, params).astype(jnp.bool_)

# --- scband reference (transcript-rebuilt; emitter-appended) ---
"""Pipeline reference for scband-top-kallocator-1254130451204 (READ-ONLY COPY).

The authoritative reference and input builder live on the scoring server;
editing this copy changes nothing except your own understanding.
"""

import jax, jax.numpy as jnp
import numpy as np

K_OPS = 64

def setup_inputs(seed: int = 0) -> dict:
    key = jax.random.key(seed)
    slot_scores = jax.random.normal(key, (128, 32768), dtype=jnp.float32)
    return {"slot_scores": slot_scores}

def reference(slot_scores):
    B, N = slot_scores.shape
    K = min(K_OPS, N)
    _, topk_idx = jax.lax.top_k(slot_scores, K)
    mask = jnp.zeros((B, N), dtype=bool)
    b_idx = jnp.arange(B)[:, None]
    mask = mask.at[b_idx, topk_idx].set(True)
    return mask

if __name__ == "__main__":
    import jax
    _d = setup_inputs()
    print(jax.jit(kernel)(*tuple(_d.values())))

</pallas_src>

<mosaic_0001>
#map = affine_map<(d0, d1) -> (0, 0)>
module attributes {stable_mosaic.version = 14 : i64} {
  func.func @_body(%arg0: i32, %arg1: i32, %arg2: memref<128x32768xi32, #tpu.memory_space<hbm>>, %arg3: memref<128x128xi32, #tpu.memory_space<hbm>>, %arg4: memref<32768xi32, #tpu.memory_space<vmem>>, %arg5: memref<32784xi32, #tpu.memory_space<vmem>>, %arg6: memref<4096xi32, #tpu.memory_space<vmem>>) attributes {dimension_semantics = [#tpu.dimension_semantics<core_parallel>, #tpu.dimension_semantics<subcore_parallel>], iteration_bounds = array<i64: 2, 16>, scalar_prefetch = 0 : i64, scratch_operands = 3 : i64, tpu.core_type = #tpu.core_type<sc_vector_subcore>, window_params = [{transform_indices = #map}, {transform_indices = #map}]} {
    %mul3A = arith.constant 2 : i32
    %mul3A_0 = arith.muli %arg1, %mul3A : i32
    %add3A = arith.addi %mul3A_0, %arg0 : i32
    %iota3A = tpu.iota {dimensions = array<i32: 0>} : vector<16xi32>
    %mul3A_1 = arith.constant 256 : i32
    %mul3A_2 = vector.broadcast %mul3A_1 : i32 to vector<16xi32>
    %mul3A_3 = arith.muli %iota3A, %mul3A_2 : vector<16xi32>
    %broadcast_in_dim3A = arith.constant 1 : i32
    %broadcast_in_dim3A_4 = vector.broadcast %broadcast_in_dim3A : i32 to vector<16xi32>
    %broadcast_in_dim3A_5 = arith.constant 0 : i32
    %broadcast_in_dim3A_6 = vector.broadcast %broadcast_in_dim3A_5 : i32 to vector<16xi32>
    %scan3A = arith.constant 0 : i32
    %scan3A_7 = arith.constant 0 : i32
    %scan3A_8 = arith.constant 4 : i32
    %scan3A_9 = arith.addi %scan3A_7, %scan3A_8 : i32
    %scan3A_10 = arith.constant 1 : i32
    scf.for %scan3A_12 = %scan3A_7 to %scan3A_9 step %scan3A_10  : i32 {
      %mul3A_13 = arith.constant 4 : i32
      %mul3A_14 = arith.muli %add3A, %mul3A_13 : i32
      %add3A_15 = arith.addi %mul3A_14, %scan3A_12 : i32
      "tpu.region"() ({
        %run_scoped3A = tpu.sem_alloc : memref<!tpu.dma_semaphore, #tpu.memory_space<semaphore_mem>>
        %dma_start3A = arith.constant 0 : i32
        %dma_start3A_149 = tpu.memref_slice %arg2[%add3A_15, %dma_start3A] : memref<128x32768xi32, #tpu.memory_space<hbm>> -> memref<1x32768xi32, #tpu.memory_space<hbm>>
        %dma_start3A_150 = tpu.memref_squeeze %dma_start3A_149 : memref<1x32768xi32, #tpu.memory_space<hbm>> -> memref<32768xi32, #tpu.memory_space<hbm>>
        %dma_start3A_151 = arith.constant 0 : i32
        %dma_start3A_152 = tpu.memref_slice %arg2[%add3A_15, %dma_start3A_151] : memref<128x32768xi32, #tpu.memory_space<hbm>> -> memref<1x32768xi32, #tpu.memory_space<hbm>>
        %dma_start3A_153 = tpu.memref_squeeze %dma_start3A_152 : memref<1x32768xi32, #tpu.memory_space<hbm>> -> memref<32768xi32, #tpu.memory_space<hbm>>
        tpu.enqueue_dma source(%dma_start3A_153 : memref<32768xi32, #tpu.memory_space<hbm>>) target(%arg4 : memref<32768xi32, #tpu.memory_space<vmem>>) target_semaphore(%run_scoped3A : memref<!tpu.dma_semaphore, #tpu.memory_space<semaphore_mem>>)
        %dma_wait3A = arith.constant 0 : i32
        %dma_wait3A_154 = tpu.memref_slice %arg2[%add3A_15, %dma_wait3A] : memref<128x32768xi32, #tpu.memory_space<hbm>> -> memref<1x32768xi32, #tpu.memory_space<hbm>>
        %dma_wait3A_155 = tpu.memref_squeeze %dma_wait3A_154 : memref<1x32768xi32, #tpu.memory_space<hbm>> -> memref<32768xi32, #tpu.memory_space<hbm>>
        %dma_wait3A_156 = arith.constant 0 : i32
        %dma_wait3A_157 = tpu.memref_slice %arg2[%add3A_15, %dma_wait3A_156] : memref<128x32768xi32, #tpu.memory_space<hbm>> -> memref<1x32768xi32, #tpu.memory_space<hbm>>
        %dma_wait3A_158 = tpu.memref_squeeze %dma_wait3A_157 : memref<1x32768xi32, #tpu.memory_space<hbm>> -> memref<32768xi32, #tpu.memory_space<hbm>>
        tpu.wait_dma2 semaphore(%run_scoped3A : memref<!tpu.dma_semaphore, #tpu.memory_space<semaphore_mem>>) src(%dma_wait3A_158 : memref<32768xi32, #tpu.memory_space<hbm>>) dst(%arg4 : memref<32768xi32, #tpu.memory_space<vmem>>)
        tpu.yield
      }) : () -> ()
      %parallel_loop3A = arith.constant 0 : i32
      %parallel_loop3A_16 = arith.constant 256 : i32
      %parallel_loop3A_17 = arith.constant 1 : i32
      scf.for %parallel_loop3A_149 = %parallel_loop3A to %parallel_loop3A_16 step %parallel_loop3A_17  : i32 {
        %parallel_loop3A_150 = arith.constant 16 : i32
        %parallel_loop3A_151 = arith.muli %parallel_loop3A_149, %parallel_loop3A_150 : i32
        %parallel_loop3A_152 = arith.index_cast %parallel_loop3A_151 : i32 to index
        %parallel_loop3A_153 = tpu.vector_load %arg6[%parallel_loop3A_152] {strides = array<i32>} : memref<4096xi32, #tpu.memory_space<vmem>>, vector<16xi32>,
        tpu.vector_store %arg6[%parallel_loop3A_152], %broadcast_in_dim3A_6 {strides = array<i32>} : memref<4096xi32, #tpu.memory_space<vmem>>, vector<16xi32>,
      } {sc.loop_unroll_factor = 8 : i64, sc.parallel_access}
      %parallel_loop3A_18 = arith.constant 0 : i32
      %parallel_loop3A_19 = arith.constant 2048 : i32
      %parallel_loop3A_20 = arith.constant 1 : i32
      scf.for %parallel_loop3A_149 = %parallel_loop3A_18 to %parallel_loop3A_19 step %parallel_loop3A_20  : i32 {
        %parallel_loop3A_150 = arith.constant 16 : i32
        %parallel_loop3A_151 = arith.muli %parallel_loop3A_149, %parallel_loop3A_150 : i32
        %parallel_loop3A_152 = arith.index_cast %parallel_loop3A_151 : i32 to index
        %parallel_loop3A_153 = tpu.vector_load %arg4[%parallel_loop3A_152] {strides = array<i32>} : memref<32768xi32, #tpu.memory_space<vmem>>, vector<16xi32>,
        %parallel_loop3A_154 = arith.constant 31 : i32
        %parallel_loop3A_155 = vector.broadcast %parallel_loop3A_154 : i32 to vector<16xi32>
        %parallel_loop3A_156 = arith.shrsi %parallel_loop3A_153, %parallel_loop3A_155 : vector<16xi32>
        %parallel_loop3A_157 = arith.constant -2147483648 : i32
        %parallel_loop3A_158 = vector.broadcast %parallel_loop3A_157 : i32 to vector<16xi32>
        %parallel_loop3A_159 = arith.ori %parallel_loop3A_156, %parallel_loop3A_158 : vector<16xi32>
        %parallel_loop3A_160 = arith.xori %parallel_loop3A_153, %parallel_loop3A_159 : vector<16xi32>
        %parallel_loop3A_161 = arith.constant 16 : i32
        %parallel_loop3A_162 = arith.muli %parallel_loop3A_149, %parallel_loop3A_161 : i32
        %parallel_loop3A_163 = arith.index_cast %parallel_loop3A_162 : i32 to index
        %parallel_loop3A_164 = tpu.vector_load %arg4[%parallel_loop3A_163] {strides = array<i32>} : memref<32768xi32, #tpu.memory_space<vmem>>, vector<16xi32>,
        tpu.vector_store %arg4[%parallel_loop3A_163], %parallel_loop3A_160 {strides = array<i32>} : memref<32768xi32, #tpu.memory_space<vmem>>, vector<16xi32>,
        %parallel_loop3A_165 = arith.constant 24 : i32
        %parallel_loop3A_166 = vector.broadcast %parallel_loop3A_165 : i32 to vector<16xi32>
        %parallel_loop3A_167 = arith.shrui %parallel_loop3A_160, %parallel_loop3A_166 : vector<16xi32>
        %parallel_loop3A_168 = arith.addi %mul3A_3, %parallel_loop3A_167 : vector<16xi32>
        tpu.vector_store_idx %arg6[%parallel_loop3A_168], %broadcast_in_dim3A_4 {add = true} : memref<4096xi32, #tpu.memory_space<vmem>>[vector<16xi32>], vector<16xi32>,
      } {sc.loop_unroll_factor = 4 : i64, sc.parallel_access}
      %scan3A_21 = arith.constant 0 : i32
      %scan3A_22 = arith.constant 0 : i32
      %scan3A_23 = arith.constant 0 : i32
      %scan3A_24 = arith.constant 0 : i32
      %scan3A_25 = arith.constant 0 : i32
      %scan3A_26 = arith.constant 16 : i32
      %scan3A_27 = arith.addi %scan3A_25, %scan3A_26 : i32
      %scan3A_28 = arith.constant 1 : i32
      %scan3A_29:4 = scf.for %scan3A_149 = %scan3A_25 to %scan3A_27 step %scan3A_28 iter_args(%scan3A_150 = %scan3A_21, %scan3A_151 = %scan3A_22, %scan3A_152 = %scan3A_23, %scan3A_153 = %scan3A_24) -> (i32, i32, i32, i32)  : i32 {
        %sub3A_154 = arith.constant 15 : i32
        %sub3A_155 = arith.subi %sub3A_154, %scan3A_149 : i32
        %mul3A_156 = arith.constant 16 : i32
        %mul3A_157 = arith.muli %sub3A_155, %mul3A_156 : i32
        %add3A_158 = arith.constant 0 : i32
        %add3A_159 = arith.addi %add3A_158, %mul3A_157 : i32
        %get3A = arith.index_cast %add3A_159 : i32 to index
        %get3A_160 = tpu.vector_load %arg6[%get3A] {strides = array<i32>} : memref<4096xi32, #tpu.memory_space<vmem>>, vector<16xi32>,
        %add3A_161 = arith.addi %broadcast_in_dim3A_6, %get3A_160 : vector<16xi32>
        %mul3A_162 = arith.constant 16 : i32
        %mul3A_163 = arith.muli %sub3A_155, %mul3A_162 : i32
        %add3A_164 = arith.constant 256 : i32
        %add3A_165 = arith.addi %add3A_164, %mul3A_163 : i32
        %get3A_166 = arith.index_cast %add3A_165 : i32 to index
        %get3A_167 = tpu.vector_load %arg6[%get3A_166] {strides = array<i32>} : memref<4096xi32, #tpu.memory_space<vmem>>, vector<16xi32>,
        %add3A_168 = arith.addi %add3A_161, %get3A_167 : vector<16xi32>
        %mul3A_169 = arith.constant 16 : i32
        %mul3A_170 = arith.muli %sub3A_155, %mul3A_169 : i32
        %add3A_171 = arith.constant 512 : i32
        %add3A_172 = arith.addi %add3A_171, %mul3A_170 : i32
        %get3A_173 = arith.index_cast %add3A_172 : i32 to index
        %get3A_174 = tpu.vector_load %arg6[%get3A_173] {strides = array<i32>} : memref<4096xi32, #tpu.memory_space<vmem>>, vector<16xi32>,
        %add3A_175 = arith.addi %add3A_168, %get3A_174 : vector<16xi32>
        %mul3A_176 = arith.constant 16 : i32
        %mul3A_177 = arith.muli %sub3A_155, %mul3A_176 : i32
        %add3A_178 = arith.constant 768 : i32
        %add3A_179 = arith.addi %add3A_178, %mul3A_177 : i32
        %get3A_180 = arith.index_cast %add3A_179 : i32 to index
        %get3A_181 = tpu.vector_load %arg6[%get3A_180] {strides = array<i32>} : memref<4096xi32, #tpu.memory_space<vmem>>, vector<16xi32>,
        %add3A_182 = arith.addi %add3A_175, %get3A_181 : vector<16xi32>
        %mul3A_183 = arith.constant 16 : i32
        %mul3A_184 = arith.muli %sub3A_155, %mul3A_183 : i32
        %add3A_185 = arith.constant 1024 : i32
        %add3A_186 = arith.addi %add3A_185, %mul3A_184 : i32
        %get3A_187 = arith.index_cast %add3A_186 : i32 to index
        %get3A_188 = tpu.vector_load %arg6[%get3A_187] {strides = array<i32>} : memref<4096xi32, #tpu.memory_space<vmem>>, vector<16xi32>,
        %add3A_189 = arith.addi %add3A_182, %get3A_188 : vector<16xi32>
        %mul3A_190 = arith.constant 16 : i32
        %mul3A_191 = arith.muli %sub3A_155, %mul3A_190 : i32
        %add3A_192 = arith.constant 1280 : i32
        %add3A_193 = arith.addi %add3A_192, %mul3A_191 : i32
        %get3A_194 = arith.index_cast %add3A_193 : i32 to index
        %get3A_195 = tpu.vector_load %arg6[%get3A_194] {strides = array<i32>} : memref<4096xi32, #tpu.memory_space<vmem>>, vector<16xi32>,
        %add3A_196 = arith.addi %add3A_189, %get3A_195 : vector<16xi32>
        %mul3A_197 = arith.constant 16 : i32
        %mul3A_198 = arith.muli %sub3A_155, %mul3A_197 : i32
        %add3A_199 = arith.constant 1536 : i32
        %add3A_200 = arith.addi %add3A_199, %mul3A_198 : i32
        %get3A_201 = arith.index_cast %add3A_200 : i32 to index
        %get3A_202 = tpu.vector_load %arg6[%get3A_201] {strides = array<i32>} : memref<4096xi32, #tpu.memory_space<vmem>>, vector<16xi32>,
        %add3A_203 = arith.addi %add3A_196, %get3A_202 : vector<16xi32>
        %mul3A_204 = arith.constant 16 : i32
        %mul3A_205 = arith.muli %sub3A_155, %mul3A_204 : i32
        %add3A_206 = arith.constant 1792 : i32
        %add3A_207 = arith.addi %add3A_206, %mul3A_205 : i32
        %get3A_208 = arith.index_cast %add3A_207 : i32 to index
        %get3A_209 = tpu.vector_load %arg6[%get3A_208] {strides = array<i32>} : memref<4096xi32, #tpu.memory_space<vmem>>, vector<16xi32>,
        %add3A_210 = arith.addi %add3A_203, %get3A_209 : vector<16xi32>
        %mul3A_211 = arith.constant 16 : i32
        %mul3A_212 = arith.muli %sub3A_155, %mul3A_211 : i32
        %add3A_213 = arith.constant 2048 : i32
        %add3A_214 = arith.addi %add3A_213, %mul3A_212 : i32
        %get3A_215 = arith.index_cast %add3A_214 : i32 to index
        %get3A_216 = tpu.vector_load %arg6[%get3A_215] {strides = array<i32>} : memref<4096xi32, #tpu.memory_space<vmem>>, vector<16xi32>,
        %add3A_217 = arith.addi %add3A_210, %get3A_216 : vector<16xi32>
        %mul3A_218 = arith.constant 16 : i32
        %mul3A_219 = arith.muli %sub3A_155, %mul3A_218 : i32
        %add3A_220 = arith.constant 2304 : i32
        %add3A_221 = arith.addi %add3A_220, %mul3A_219 : i32
        %get3A_222 = arith.index_cast %add3A_221 : i32 to index
        %get3A_223 = tpu.vector_load %arg6[%get3A_222] {strides = array<i32>} : memref<4096xi32, #tpu.memory_space<vmem>>, vector<16xi32>,
        %add3A_224 = arith.addi %add3A_217, %get3A_223 : vector<16xi32>
        %mul3A_225 = arith.constant 16 : i32
        %mul3A_226 = arith.muli %sub3A_155, %mul3A_225 : i32
        %add3A_227 = arith.constant 2560 : i32
        %add3A_228 = arith.addi %add3A_227, %mul3A_226 : i32
        %get3A_229 = arith.index_cast %add3A_228 : i32 to index
        %get3A_230 = tpu.vector_load %arg6[%get3A_229] {strides = array<i32>} : memref<4096xi32, #tpu.memory_space<vmem>>, vector<16xi32>,
        %add3A_231 = arith.addi %add3A_224, %get3A_230 : vector<16xi32>
        %mul3A_232 = arith.constant 16 : i32
        %mul3A_233 = arith.muli %sub3A_155, %mul3A_232 : i32
        %add3A_234 = arith.constant 2816 : i32
        %add3A_235 = arith.addi %add3A_234, %mul3A_233 : i32
        %get3A_236 = arith.index_cast %add3A_235 : i32 to index
        %get3A_237 = tpu.vector_load %arg6[%get3A_236] {strides = array<i32>} : memref<4096xi32, #tpu.memory_space<vmem>>, vector<16xi32>,
        %add3A_238 = arith.addi %add3A_231, %get3A_237 : vector<16xi32>
        %mul3A_239 = arith.constant 16 : i32
        %mul3A_240 = arith.muli %sub3A_155, %mul3A_239 : i32
        %add3A_241 = arith.constant 3072 : i32
        %add3A_242 = arith.addi %add3A_241, %mul3A_240 : i32
        %get3A_243 = arith.index_cast %add3A_242 : i32 to index
        %get3A_244 = tpu.vector_load %arg6[%get3A_243] {strides = array<i32>} : memref<4096xi32, #tpu.memory_space<vmem>>, vector<16xi32>,
        %add3A_245 = arith.addi %add3A_238, %get3A_244 : vector<16xi32>
        %mul3A_246 = arith.constant 16 : i32
        %mul3A_247 = arith.muli %sub3A_155, %mul3A_246 : i32
        %add3A_248 = arith.constant 3328 : i32
        %add3A_249 = arith.addi %add3A_248, %mul3A_247 : i32
        %get3A_250 = arith.index_cast %add3A_249 : i32 to index
        %get3A_251 = tpu.vector_load %arg6[%get3A_250] {strides = array<i32>} : memref<4096xi32, #tpu.memory_space<vmem>>, vector<16xi32>,
        %add3A_252 = arith.addi %add3A_245, %get3A_251 : vector<16xi32>
        %mul3A_253 = arith.constant 16 : i32
        %mul3A_254 = arith.muli %sub3A_155, %mul3A_253 : i32
        %add3A_255 = arith.constant 3584 : i32
        %add3A_256 = arith.addi %add3A_255, %mul3A_254 : i32
        %get3A_257 = arith.index_cast %add3A_256 : i32 to index
        %get3A_258 = tpu.vector_load %arg6[%get3A_257] {strides = array<i32>} : memref<4096xi32, #tpu.memory_space<vmem>>, vector<16xi32>,
        %add3A_259 = arith.addi %add3A_252, %get3A_258 : vector<16xi32>
        %mul3A_260 = arith.constant 16 : i32
        %mul3A_261 = arith.muli %sub3A_155, %mul3A_260 : i32
        %add3A_262 = arith.constant 3840 : i32
        %add3A_263 = arith.addi %add3A_262, %mul3A_261 : i32
        %get3A_264 = arith.index_cast %add3A_263 : i32 to index
        %get3A_265 = tpu.vector_load %arg6[%get3A_264] {strides = array<i32>} : memref<4096xi32, #tpu.memory_space<vmem>>, vector<16xi32>,
        %add3A_266 = arith.addi %add3A_259, %get3A_265 : vector<16xi32>
        %rev3A = arith.constant 15 : i32
        %rev3A_267 = vector.broadcast %rev3A : i32 to vector<16xi32>
        %rev3A_268 = tpu.iota {dimensions = array<i32: 0>} : vector<16xi32>
        %rev3A_269 = arith.subi %rev3A_267, %rev3A_268 : vector<16xi32>
        %rev3A_270 = tpu.dynamic_gather %add3A_266[%rev3A_269] in [0] : vector<16xi32>, vector<16xi32> -> vector<16xi32>
        %broadcast_in_dim3A_271 = arith.constant true
        %broadcast_in_dim3A_272 = vector.broadcast %broadcast_in_dim3A_271 : i1 to vector<16xi1>
        %masked_cumsum3A = tpu.scan <sum>, %rev3A_270 masked %broadcast_in_dim3A_272 : vector<16xi32>, vector<16xi1> -> vector<16xi32>
        %reduce_sum3A = arith.constant true
        %reduce_sum3A_273 = vector.broadcast %reduce_sum3A : i1 to vector<16xi1>
        %reduce_sum3A_274 = tpu.scan <sum>, %add3A_266 masked %reduce_sum3A_273 : vector<16xi32>, vector<16xi1> -> vector<16xi32>
        %reduce_sum3A_275 = vector.extract %reduce_sum3A_274[15] : i32 from vector<16xi32>
        %eq3A_276 = arith.constant 0 : i32
        %eq3A_277 = arith.cmpi eq, %scan3A_151, %eq3A_276 : i32
        %add3A_278 = arith.addi %scan3A_150, %reduce_sum3A_275 : i32
        %ge3A = arith.constant 64 : i32
        %ge3A_279 = arith.cmpi sge, %add3A_278, %ge3A : i32
        %and3A_280 = arith.andi %eq3A_277, %ge3A_279 : i1
        %add3A_281 = vector.broadcast %scan3A_150 : i32 to vector<16xi32>
        %add3A_282 = arith.addi %add3A_281, %masked_cumsum3A : vector<16xi32>
        %ge3A_283 = arith.constant 64 : i32
        %ge3A_284 = vector.broadcast %ge3A_283 : i32 to vector<16xi32>
        %ge3A_285 = arith.cmpi sge, %add3A_282, %ge3A_284 : vector<16xi32>
        %all_reduce_ffs3A = tpu.all_reduce %ge3A_285 {dim = 0 : i64, kind = #tpu.reduction_kind<find_first_set>} : vector<16xi1> -> vector<16xi32>
        %reduce_max3A = arith.constant true
        %reduce_max3A_286 = vector.broadcast %reduce_max3A : i1 to vector<16xi1>
        %reduce_max3A_287 = arith.constant -2147483648 : i32
        %reduce_max3A_288 = vector.broadcast %reduce_max3A_287 : i32 to vector<16xi32>
        %reduce_max3A_289 = arith.xori %all_reduce_ffs3A, %reduce_max3A_288 : vector<16xi32>
        %reduce_max3A_290 = tpu.scan <max>, %reduce_max3A_289 masked %reduce_max3A_286 : vector<16xi32>, vector<16xi1> -> vector<16xi32>
        %reduce_max3A_291 = arith.xori %reduce_max3A_290, %reduce_max3A_288 : vector<16xi32>
        %reduce_max3A_292 = vector.extract %reduce_max3A_291[15] : i32 from vector<16xi32>
        %eq3A_293 = vector.broadcast %reduce_max3A_292 : i32 to vector<16xi32>
        %eq3A_294 = arith.cmpi eq, %iota3A, %eq3A_293 : vector<16xi32>
        %jit3A_295 = arith.constant 0 : i32
        %broadcast_in_dim3A_296 = vector.broadcast %jit3A_295 : i32 to vector<16xi32>
        %select_n3A_297 = arith.select %eq3A_294, %rev3A_270, %broadcast_in_dim3A_296 : vector<16xi1>, vector<16xi32>
        %reduce_sum3A_298 = arith.constant true
        %reduce_sum3A_299 = vector.broadcast %reduce_sum3A_298 : i1 to vector<16xi1>
        %reduce_sum3A_300 = tpu.scan <sum>, %select_n3A_297 masked %reduce_sum3A_299 : vector<16xi32>, vector<16xi1> -> vector<16xi32>
        %reduce_sum3A_301 = vector.extract %reduce_sum3A_300[15] : i32 from vector<16xi32>
        %eq3A_302 = vector.broadcast %reduce_max3A_292 : i32 to vector<16xi32>
        %eq3A_303 = arith.cmpi eq, %iota3A, %eq3A_302 : vector<16xi32>
        %jit3A_304 = arith.constant 0 : i32
        %broadcast_in_dim3A_305 = vector.broadcast %jit3A_304 : i32 to vector<16xi32>
        %select_n3A_306 = arith.select %eq3A_303, %masked_cumsum3A, %broadcast_in_dim3A_305 : vector<16xi1>, vector<16xi32>
        %reduce_sum3A_307 = arith.constant true
        %reduce_sum3A_308 = vector.broadcast %reduce_sum3A_307 : i1 to vector<16xi1>
        %reduce_sum3A_309 = tpu.scan <sum>, %select_n3A_306 masked %reduce_sum3A_308 : vector<16xi32>, vector<16xi1> -> vector<16xi32>
        %reduce_sum3A_310 = vector.extract %reduce_sum3A_309[15] : i32 from vector<16xi32>
        %mul3A_311 = arith.constant 16 : i32
        %mul3A_312 = arith.muli %sub3A_155, %mul3A_311 : i32
        %add3A_313 = arith.constant 15 : i32
        %add3A_314 = arith.addi %mul3A_312, %add3A_313 : i32
        %sub3A_315 = arith.subi %add3A_314, %reduce_max3A_292 : i32
        %add3A_316 = arith.addi %scan3A_150, %reduce_sum3A_310 : i32
        %sub3A_317 = arith.subi %add3A_316, %reduce_sum3A_301 : i32
        %eq3A_318 = arith.constant 1 : i32
        %eq3A_319 = arith.cmpi eq, %scan3A_151, %eq3A_318 : i32
        %add3A_320 = arith.addi %scan3A_150, %reduce_sum3A_275 : i32
        %select_n3A_321 = arith.select %eq3A_319, %scan3A_150, %add3A_320 : i32
        %select_n3A_322 = arith.select %and3A_280, %sub3A_317, %select_n3A_321 : i32
        %jit3A_323 = arith.constant 1 : i32
        %select_n3A_324 = arith.select %and3A_280, %jit3A_323, %scan3A_151 : i32
        %select_n3A_325 = arith.select %and3A_280, %sub3A_315, %scan3A_152 : i32
        %select_n3A_326 = arith.select %and3A_280, %reduce_sum3A_301, %scan3A_153 : i32
        scf.yield %select_n3A_322, %select_n3A_324, %select_n3A_325, %select_n3A_326 : i32, i32, i32, i32
      }
      %scan3A_30 = arith.constant 16 : i32
      %parallel_loop3A_31 = arith.constant 0 : i32
      %parallel_loop3A_32 = arith.constant 2048 : i32
      %parallel_loop3A_33 = arith.constant 1 : i32
      %parallel_loop3A_34 = arith.constant 0 : i32
      %parallel_loop3A_35 = scf.for %parallel_loop3A_149 = %parallel_loop3A_31 to %parallel_loop3A_32 step %parallel_loop3A_33 iter_args(%parallel_loop3A_150 = %parallel_loop3A_34) -> (i32)  : i32 {
        %parallel_loop3A_151 = arith.constant 16 : i32
        %parallel_loop3A_152 = arith.muli %parallel_loop3A_149, %parallel_loop3A_151 : i32
        %parallel_loop3A_153 = arith.index_cast %parallel_loop3A_152 : i32 to index
        %parallel_loop3A_154 = tpu.vector_load %arg4[%parallel_loop3A_153] {strides = array<i32>} : memref<32768xi32, #tpu.memory_space<vmem>>, vector<16xi32>,
        %parallel_loop3A_155 = arith.constant 24 : i32
        %parallel_loop3A_156 = vector.broadcast %parallel_loop3A_155 : i32 to vector<16xi32>
        %parallel_loop3A_157 = arith.shrui %parallel_loop3A_154, %parallel_loop3A_156 : vector<16xi32>
        %parallel_loop3A_158 = vector.broadcast %scan3A_29#2 : i32 to vector<16xi32>
        %parallel_loop3A_159 = arith.cmpi eq, %parallel_loop3A_157, %parallel_loop3A_158 : vector<16xi32>
        %parallel_loop3A_160 = arith.index_cast %parallel_loop3A_150 : i32 to index
        %parallel_loop3A_161 = tpu.vector_load %arg5[%parallel_loop3A_160] masked %parallel_loop3A_159 {strides = array<i32>} : memref<32784xi32, #tpu.memory_space<vmem>>, vector<16xi32>, vector<16xi1>
        tpu.vector_store %arg5[%parallel_loop3A_160], %parallel_loop3A_154 masked %parallel_loop3A_159 {strides = array<i32>} : memref<32784xi32, #tpu.memory_space<vmem>>, vector<16xi32>, vector<16xi1>
        %parallel_loop3A_162 = tpu.all_reduce %parallel_loop3A_159 {dim = 0 : i64, kind = #tpu.reduction_kind<sum>} : vector<16xi1> -> vector<16xi32>
        %parallel_loop3A_163 = vector.extract_strided_slice %parallel_loop3A_162 {offsets = [0], sizes = [1], strides = [1]} : vector<16xi32> to vector<1xi32>
        %parallel_loop3A_164 = vector.extract %parallel_loop3A_163[0] : i32 from vector<1xi32>
        %parallel_loop3A_165 = arith.addi %parallel_loop3A_150, %parallel_loop3A_164 : i32
        scf.yield %parallel_loop3A_165 : i32
      } {sc.loop_unroll_factor = 4 : i64, sc.parallel_access}
      %add3A_36 = arith.constant 16 : i32
      %add3A_37 = arith.addi %scan3A_29#3, %add3A_36 : i32
      %sub3A = arith.constant 1 : i32
      %sub3A_38 = arith.subi %add3A_37, %sub3A : i32
      %jit3A = arith.constant 16 : i32
      %div3A = arith.divsi %sub3A_38, %jit3A : i32
      %sign3A = arith.constant 0 : i32
      %sign3A_39 = arith.cmpi sgt, %sub3A_38, %sign3A : i32
      %sign3A_40 = arith.extui %sign3A_39 : i1 to i32
      %sign3A_41 = arith.constant 0 : i32
      %sign3A_42 = arith.cmpi slt, %sub3A_38, %sign3A_41 : i32
      %sign3A_43 = arith.extui %sign3A_42 : i1 to i32
      %sign3A_44 = arith.subi %sign3A_40, %sign3A_43 : i32
      %sign3A_45 = arith.constant 0 : i32
      %sign3A_46 = arith.cmpi sgt, %jit3A, %sign3A_45 : i32
      %sign3A_47 = arith.extui %sign3A_46 : i1 to i32
      %sign3A_48 = arith.constant 0 : i32
      %sign3A_49 = arith.cmpi slt, %jit3A, %sign3A_48 : i32
      %sign3A_50 = arith.extui %sign3A_49 : i1 to i32
      %sign3A_51 = arith.subi %sign3A_47, %sign3A_50 : i32
      %ne3A = arith.cmpi ne, %sign3A_44, %sign3A_51 : i32
      %rem3A = arith.remsi %sub3A_38, %jit3A : i32
      %ne3A_52 = arith.constant 0 : i32
      %ne3A_53 = arith.cmpi ne, %rem3A, %ne3A_52 : i32
      %and3A = arith.andi %ne3A, %ne3A_53 : i1
      %sub3A_54 = arith.constant 1 : i32
      %sub3A_55 = arith.subi %div3A, %sub3A_54 : i32
      %select_n3A = arith.select %and3A, %sub3A_55, %div3A : i32
      %parallel_loop3A_56 = arith.constant 0 : i32
      %parallel_loop3A_57 = arith.constant 256 : i32
      %parallel_loop3A_58 = arith.constant 1 : i32
      scf.for %parallel_loop3A_149 = %parallel_loop3A_56 to %parallel_loop3A_57 step %parallel_loop3A_58  : i32 {
        %parallel_loop3A_150 = arith.constant 16 : i32
        %parallel_loop3A_151 = arith.muli %parallel_loop3A_149, %parallel_loop3A_150 : i32
        %parallel_loop3A_152 = arith.index_cast %parallel_loop3A_151 : i32 to index
        %parallel_loop3A_153 = tpu.vector_load %arg6[%parallel_loop3A_152] {strides = array<i32>} : memref<4096xi32, #tpu.memory_space<vmem>>, vector<16xi32>,
        tpu.vector_store %arg6[%parallel_loop3A_152], %broadcast_in_dim3A_6 {strides = array<i32>} : memref<4096xi32, #tpu.memory_space<vmem>>, vector<16xi32>,
      } {sc.loop_unroll_factor = 8 : i64, sc.parallel_access}
      %while3A = arith.constant 0 : i32
      %while3A_59 = arith.constant 0 : i32
      %while3A_60 = arith.subi %select_n3A, %while3A_59 : i32
      %while3A_61 = arith.addi %while3A_59, %while3A_60 : i32
      %while3A_62 = arith.constant 1 : i32
      %while3A_63 = arith.divsi %while3A_60, %while3A_62 : i32
      %while3A_64 = arith.muli %while3A_63, %while3A_62 : i32
      %while3A_65 = arith.addi %while3A_59, %while3A_64 : i32
      %while3A_66 = arith.constant 1 : i32
      scf.for %while3A_149 = %while3A_59 to %while3A_65 step %while3A_66  : i32 {
        %mul3A_150 = arith.constant 16 : i32
        %mul3A_151 = arith.muli %while3A_149, %mul3A_150 : i32
        %get3A = arith.index_cast %mul3A_151 : i32 to index
        %get3A_152 = tpu.vector_load %arg5[%get3A] {strides = array<i32>} : memref<32784xi32, #tpu.memory_space<vmem>>, vector<16xi32>,
        %mul3A_153 = arith.constant 16 : i32
        %mul3A_154 = arith.muli %while3A_149, %mul3A_153 : i32
        %add3A_155 = vector.broadcast %mul3A_154 : i32 to vector<16xi32>
        %add3A_156 = arith.addi %add3A_155, %iota3A : vector<16xi32>
        %lt3A = vector.broadcast %scan3A_29#3 : i32 to vector<16xi32>
        %lt3A_157 = arith.cmpi slt, %add3A_156, %lt3A : vector<16xi32>
        %shift_right_logical3A = arith.constant 24 : i32
        %shift_right_logical3A_158 = vector.broadcast %shift_right_logical3A : i32 to vector<16xi32>
        %shift_right_logical3A_159 = arith.shrui %get3A_152, %shift_right_logical3A_158 : vector<16xi32>
        %eq3A_160 = vector.broadcast %scan3A_29#2 : i32 to vector<16xi32>
        %eq3A_161 = arith.cmpi eq, %shift_right_logical3A_159, %eq3A_160 : vector<16xi32>
        %and3A_162 = arith.andi %lt3A_157, %eq3A_161 : vector<16xi1>
        %shift_right_logical3A_163 = arith.constant 16 : i32
        %shift_right_logical3A_164 = vector.broadcast %shift_right_logical3A_163 : i32 to vector<16xi32>
        %shift_right_logical3A_165 = arith.shrui %get3A_152, %shift_right_logical3A_164 : vector<16xi32>
        %and3A_166 = arith.constant 255 : i32
        %and3A_167 = vector.broadcast %and3A_166 : i32 to vector<16xi32>
        %and3A_168 = arith.andi %shift_right_logical3A_165, %and3A_167 : vector<16xi32>
        %add3A_169 = arith.addi %mul3A_3, %and3A_168 : vector<16xi32>
        tpu.vector_store_idx %arg6[%add3A_169], %broadcast_in_dim3A_4 masked %and3A_162 {add = true} : memref<4096xi32, #tpu.memory_space<vmem>>[vector<16xi32>], vector<16xi32>, vector<16xi1>
      }
      %while3A_67 = arith.constant 1 : i32
      scf.for %while3A_149 = %while3A_65 to %while3A_61 step %while3A_67  : i32 {
        %mul3A_150 = arith.constant 16 : i32
        %mul3A_151 = arith.muli %while3A_149, %mul3A_150 : i32
        %get3A = arith.index_cast %mul3A_151 : i32 to index
        %get3A_152 = tpu.vector_load %arg5[%get3A] {strides = array<i32>} : memref<32784xi32, #tpu.memory_space<vmem>>, vector<16xi32>,
        %mul3A_153 = arith.constant 16 : i32
        %mul3A_154 = arith.muli %while3A_149, %mul3A_153 : i32
        %add3A_155 = vector.broadcast %mul3A_154 : i32 to vector<16xi32>
        %add3A_156 = arith.addi %add3A_155, %iota3A : vector<16xi32>
        %lt3A = vector.broadcast %scan3A_29#3 : i32 to vector<16xi32>
        %lt3A_157 = arith.cmpi slt, %add3A_156, %lt3A : vector<16xi32>
        %shift_right_logical3A = arith.constant 24 : i32
        %shift_right_logical3A_158 = vector.broadcast %shift_right_logical3A : i32 to vector<16xi32>
        %shift_right_logical3A_159 = arith.shrui %get3A_152, %shift_right_logical3A_158 : vector<16xi32>
        %eq3A_160 = vector.broadcast %scan3A_29#2 : i32 to vector<16xi32>
        %eq3A_161 = arith.cmpi eq, %shift_right_logical3A_159, %eq3A_160 : vector<16xi32>
        %and3A_162 = arith.andi %lt3A_157, %eq3A_161 : vector<16xi1>
        %shift_right_logical3A_163 = arith.constant 16 : i32
        %shift_right_logical3A_164 = vector.broadcast %shift_right_logical3A_163 : i32 to vector<16xi32>
        %shift_right_logical3A_165 = arith.shrui %get3A_152, %shift_right_logical3A_164 : vector<16xi32>
        %and3A_166 = arith.constant 255 : i32
        %and3A_167 = vector.broadcast %and3A_166 : i32 to vector<16xi32>
        %and3A_168 = arith.andi %shift_right_logical3A_165, %and3A_167 : vector<16xi32>
        %add3A_169 = arith.addi %mul3A_3, %and3A_168 : vector<16xi32>
        tpu.vector_store_idx %arg6[%add3A_169], %broadcast_in_dim3A_4 masked %and3A_162 {add = true} : memref<4096xi32, #tpu.memory_space<vmem>>[vector<16xi32>], vector<16xi32>, vector<16xi1>
      }
      %scan3A_68 = arith.constant 0 : i32
      %scan3A_69 = arith.constant 0 : i32
      %scan3A_70 = arith.constant 0 : i32
      %scan3A_71 = arith.constant 0 : i32
      %scan3A_72 = arith.constant 16 : i32
      %scan3A_73 = arith.addi %scan3A_71, %scan3A_72 : i32
      %scan3A_74 = arith.constant 1 : i32
      %scan3A_75:4 = scf.for %scan3A_149 = %scan3A_71 to %scan3A_73 step %scan3A_74 iter_args(%scan3A_150 = %scan3A_29#0, %scan3A_151 = %scan3A_68, %scan3A_152 = %scan3A_69, %scan3A_153 = %scan3A_70) -> (i32, i32, i32, i32)  : i32 {
        %sub3A_154 = arith.constant 15 : i32
        %sub3A_155 = arith.subi %sub3A_154, %scan3A_149 : i32
        %mul3A_156 = arith.constant 16 : i32
        %mul3A_157 = arith.muli %sub3A_155, %mul3A_156 : i32
        %add3A_158 = arith.constant 0 : i32
        %add3A_159 = arith.addi %add3A_158, %mul3A_157 : i32
        %get3A = arith.index_cast %add3A_159 : i32 to index
        %get3A_160 = tpu.vector_load %arg6[%get3A] {strides = array<i32>} : memref<4096xi32, #tpu.memory_space<vmem>>, vector<16xi32>,
        %add3A_161 = arith.addi %broadcast_in_dim3A_6, %get3A_160 : vector<16xi32>
        %mul3A_162 = arith.constant 16 : i32
        %mul3A_163 = arith.muli %sub3A_155, %mul3A_162 : i32
        %add3A_164 = arith.constant 256 : i32
        %add3A_165 = arith.addi %add3A_164, %mul3A_163 : i32
        %get3A_166 = arith.index_cast %add3A_165 : i32 to index
        %get3A_167 = tpu.vector_load %arg6[%get3A_166] {strides = array<i32>} : memref<4096xi32, #tpu.memory_space<vmem>>, vector<16xi32>,
        %add3A_168 = arith.addi %add3A_161, %get3A_167 : vector<16xi32>
        %mul3A_169 = arith.constant 16 : i32
        %mul3A_170 = arith.muli %sub3A_155, %mul3A_169 : i32
        %add3A_171 = arith.constant 512 : i32
        %add3A_172 = arith.addi %add3A_171, %mul3A_170 : i32
        %get3A_173 = arith.index_cast %add3A_172 : i32 to index
        %get3A_174 = tpu.vector_load %arg6[%get3A_173] {strides = array<i32>} : memref<4096xi32, #tpu.memory_space<vmem>>, vector<16xi32>,
        %add3A_175 = arith.addi %add3A_168, %get3A_174 : vector<16xi32>
        %mul3A_176 = arith.constant 16 : i32
        %mul3A_177 = arith.muli %sub3A_155, %mul3A_176 : i32
        %add3A_178 = arith.constant 768 : i32
        %add3A_179 = arith.addi %add3A_178, %mul3A_177 : i32
        %get3A_180 = arith.index_cast %add3A_179 : i32 to index
        %get3A_181 = tpu.vector_load %arg6[%get3A_180] {strides = array<i32>} : memref<4096xi32, #tpu.memory_space<vmem>>, vector<16xi32>,
        %add3A_182 = arith.addi %add3A_175, %get3A_181 : vector<16xi32>
        %mul3A_183 = arith.constant 16 : i32
        %mul3A_184 = arith.muli %sub3A_155, %mul3A_183 : i32
        %add3A_185 = arith.constant 1024 : i32
        %add3A_186 = arith.addi %add3A_185, %mul3A_184 : i32
        %get3A_187 = arith.index_cast %add3A_186 : i32 to index
        %get3A_188 = tpu.vector_load %arg6[%get3A_187] {strides = array<i32>} : memref<4096xi32, #tpu.memory_space<vmem>>, vector<16xi32>,
        %add3A_189 = arith.addi %add3A_182, %get3A_188 : vector<16xi32>
        %mul3A_190 = arith.constant 16 : i32
        %mul3A_191 = arith.muli %sub3A_155, %mul3A_190 : i32
        %add3A_192 = arith.constant 1280 : i32
        %add3A_193 = arith.addi %add3A_192, %mul3A_191 : i32
        %get3A_194 = arith.index_cast %add3A_193 : i32 to index
        %get3A_195 = tpu.vector_load %arg6[%get3A_194] {strides = array<i32>} : memref<4096xi32, #tpu.memory_space<vmem>>, vector<16xi32>,
        %add3A_196 = arith.addi %add3A_189, %get3A_195 : vector<16xi32>
        %mul3A_197 = arith.constant 16 : i32
        %mul3A_198 = arith.muli %sub3A_155, %mul3A_197 : i32
        %add3A_199 = arith.constant 1536 : i32
        %add3A_200 = arith.addi %add3A_199, %mul3A_198 : i32
        %get3A_201 = arith.index_cast %add3A_200 : i32 to index
        %get3A_202 = tpu.vector_load %arg6[%get3A_201] {strides = array<i32>} : memref<4096xi32, #tpu.memory_space<vmem>>, vector<16xi32>,
        %add3A_203 = arith.addi %add3A_196, %get3A_202 : vector<16xi32>
        %mul3A_204 = arith.constant 16 : i32
        %mul3A_205 = arith.muli %sub3A_155, %mul3A_204 : i32
        %add3A_206 = arith.constant 1792 : i32
        %add3A_207 = arith.addi %add3A_206, %mul3A_205 : i32
        %get3A_208 = arith.index_cast %add3A_207 : i32 to index
        %get3A_209 = tpu.vector_load %arg6[%get3A_208] {strides = array<i32>} : memref<4096xi32, #tpu.memory_space<vmem>>, vector<16xi32>,
        %add3A_210 = arith.addi %add3A_203, %get3A_209 : vector<16xi32>
        %mul3A_211 = arith.constant 16 : i32
        %mul3A_212 = arith.muli %sub3A_155, %mul3A_211 : i32
        %add3A_213 = arith.constant 2048 : i32
        %add3A_214 = arith.addi %add3A_213, %mul3A_212 : i32
        %get3A_215 = arith.index_cast %add3A_214 : i32 to index
        %get3A_216 = tpu.vector_load %arg6[%get3A_215] {strides = array<i32>} : memref<4096xi32, #tpu.memory_space<vmem>>, vector<16xi32>,
        %add3A_217 = arith.addi %add3A_210, %get3A_216 : vector<16xi32>
        %mul3A_218 = arith.constant 16 : i32
        %mul3A_219 = arith.muli %sub3A_155, %mul3A_218 : i32
        %add3A_220 = arith.constant 2304 : i32
        %add3A_221 = arith.addi %add3A_220, %mul3A_219 : i32
        %get3A_222 = arith.index_cast %add3A_221 : i32 to index
        %get3A_223 = tpu.vector_load %arg6[%get3A_222] {strides = array<i32>} : memref<4096xi32, #tpu.memory_space<vmem>>, vector<16xi32>,
        %add3A_224 = arith.addi %add3A_217, %get3A_223 : vector<16xi32>
        %mul3A_225 = arith.constant 16 : i32
        %mul3A_226 = arith.muli %sub3A_155, %mul3A_225 : i32
        %add3A_227 = arith.constant 2560 : i32
        %add3A_228 = arith.addi %add3A_227, %mul3A_226 : i32
        %get3A_229 = arith.index_cast %add3A_228 : i32 to index
        %get3A_230 = tpu.vector_load %arg6[%get3A_229] {strides = array<i32>} : memref<4096xi32, #tpu.memory_space<vmem>>, vector<16xi32>,
        %add3A_231 = arith.addi %add3A_224, %get3A_230 : vector<16xi32>
        %mul3A_232 = arith.constant 16 : i32
        %mul3A_233 = arith.muli %sub3A_155, %mul3A_232 : i32
        %add3A_234 = arith.constant 2816 : i32
        %add3A_235 = arith.addi %add3A_234, %mul3A_233 : i32
        %get3A_236 = arith.index_cast %add3A_235 : i32 to index
        %get3A_237 = tpu.vector_load %arg6[%get3A_236] {strides = array<i32>} : memref<4096xi32, #tpu.memory_space<vmem>>, vector<16xi32>,
        %add3A_238 = arith.addi %add3A_231, %get3A_237 : vector<16xi32>
        %mul3A_239 = arith.constant 16 : i32
        %mul3A_240 = arith.muli %sub3A_155, %mul3A_239 : i32
        %add3A_241 = arith.constant 3072 : i32
        %add3A_242 = arith.addi %add3A_241, %mul3A_240 : i32
        %get3A_243 = arith.index_cast %add3A_242 : i32 to index
        %get3A_244 = tpu.vector_load %arg6[%get3A_243] {strides = array<i32>} : memref<4096xi32, #tpu.memory_space<vmem>>, vector<16xi32>,
        %add3A_245 = arith.addi %add3A_238, %get3A_244 : vector<16xi32>
        %mul3A_246 = arith.constant 16 : i32
        %mul3A_247 = arith.muli %sub3A_155, %mul3A_246 : i32
        %add3A_248 = arith.constant 3328 : i32
        %add3A_249 = arith.addi %add3A_248, %mul3A_247 : i32
        %get3A_250 = arith.index_cast %add3A_249 : i32 to index
        %get3A_251 = tpu.vector_load %arg6[%get3A_250] {strides = array<i32>} : memref<4096xi32, #tpu.memory_space<vmem>>, vector<16xi32>,
        %add3A_252 = arith.addi %add3A_245, %get3A_251 : vector<16xi32>
        %mul3A_253 = arith.constant 16 : i32
        %mul3A_254 = arith.muli %sub3A_155, %mul3A_253 : i32
        %add3A_255 = arith.constant 3584 : i32
        %add3A_256 = arith.addi %add3A_255, %mul3A_254 : i32
        %get3A_257 = arith.index_cast %add3A_256 : i32 to index
        %get3A_258 = tpu.vector_load %arg6[%get3A_257] {strides = array<i32>} : memref<4096xi32, #tpu.memory_space<vmem>>, vector<16xi32>,
        %add3A_259 = arith.addi %add3A_252, %get3A_258 : vector<16xi32>
        %mul3A_260 = arith.constant 16 : i32
        %mul3A_261 = arith.muli %sub3A_155, %mul3A_260 : i32
        %add3A_262 = arith.constant 3840 : i32
        %add3A_263 = arith.addi %add3A_262, %mul3A_261 : i32
        %get3A_264 = arith.index_cast %add3A_263 : i32 to index
        %get3A_265 = tpu.vector_load %arg6[%get3A_264] {strides = array<i32>} : memref<4096xi32, #tpu.memory_space<vmem>>, vector<16xi32>,
        %add3A_266 = arith.addi %add3A_259, %get3A_265 : vector<16xi32>
        %rev3A = arith.constant 15 : i32
        %rev3A_267 = vector.broadcast %rev3A : i32 to vector<16xi32>
        %rev3A_268 = tpu.iota {dimensions = array<i32: 0>} : vector<16xi32>
        %rev3A_269 = arith.subi %rev3A_267, %rev3A_268 : vector<16xi32>
        %rev3A_270 = tpu.dynamic_gather %add3A_266[%rev3A_269] in [0] : vector<16xi32>, vector<16xi32> -> vector<16xi32>
        %broadcast_in_dim3A_271 = arith.constant true
        %broadcast_in_dim3A_272 = vector.broadcast %broadcast_in_dim3A_271 : i1 to vector<16xi1>
        %masked_cumsum3A = tpu.scan <sum>, %rev3A_270 masked %broadcast_in_dim3A_272 : vector<16xi32>, vector<16xi1> -> vector<16xi32>
        %reduce_sum3A = arith.constant true
        %reduce_sum3A_273 = vector.broadcast %reduce_sum3A : i1 to vector<16xi1>
        %reduce_sum3A_274 = tpu.scan <sum>, %add3A_266 masked %reduce_sum3A_273 : vector<16xi32>, vector<16xi1> -> vector<16xi32>
        %reduce_sum3A_275 = vector.extract %reduce_sum3A_274[15] : i32 from vector<16xi32>
        %eq3A_276 = arith.constant 0 : i32
        %eq3A_277 = arith.cmpi eq, %scan3A_151, %eq3A_276 : i32
        %add3A_278 = arith.addi %scan3A_150, %reduce_sum3A_275 : i32
        %ge3A = arith.constant 64 : i32
        %ge3A_279 = arith.cmpi sge, %add3A_278, %ge3A : i32
        %and3A_280 = arith.andi %eq3A_277, %ge3A_279 : i1
        %add3A_281 = vector.broadcast %scan3A_150 : i32 to vector<16xi32>
        %add3A_282 = arith.addi %add3A_281, %masked_cumsum3A : vector<16xi32>
        %ge3A_283 = arith.constant 64 : i32
        %ge3A_284 = vector.broadcast %ge3A_283 : i32 to vector<16xi32>
        %ge3A_285 = arith.cmpi sge, %add3A_282, %ge3A_284 : vector<16xi32>
        %all_reduce_ffs3A = tpu.all_reduce %ge3A_285 {dim = 0 : i64, kind = #tpu.reduction_kind<find_first_set>} : vector<16xi1> -> vector<16xi32>
        %reduce_max3A = arith.constant true
        %reduce_max3A_286 = vector.broadcast %reduce_max3A : i1 to vector<16xi1>
        %reduce_max3A_287 = arith.constant -2147483648 : i32
        %reduce_max3A_288 = vector.broadcast %reduce_max3A_287 : i32 to vector<16xi32>
        %reduce_max3A_289 = arith.xori %all_reduce_ffs3A, %reduce_max3A_288 : vector<16xi32>
        %reduce_max3A_290 = tpu.scan <max>, %reduce_max3A_289 masked %reduce_max3A_286 : vector<16xi32>, vector<16xi1> -> vector<16xi32>
        %reduce_max3A_291 = arith.xori %reduce_max3A_290, %reduce_max3A_288 : vector<16xi32>
        %reduce_max3A_292 = vector.extract %reduce_max3A_291[15] : i32 from vector<16xi32>
        %eq3A_293 = vector.broadcast %reduce_max3A_292 : i32 to vector<16xi32>
        %eq3A_294 = arith.cmpi eq, %iota3A, %eq3A_293 : vector<16xi32>
        %jit3A_295 = arith.constant 0 : i32
        %broadcast_in_dim3A_296 = vector.broadcast %jit3A_295 : i32 to vector<16xi32>
        %select_n3A_297 = arith.select %eq3A_294, %rev3A_270, %broadcast_in_dim3A_296 : vector<16xi1>, vector<16xi32>
        %reduce_sum3A_298 = arith.constant true
        %reduce_sum3A_299 = vector.broadcast %reduce_sum3A_298 : i1 to vector<16xi1>
        %reduce_sum3A_300 = tpu.scan <sum>, %select_n3A_297 masked %reduce_sum3A_299 : vector<16xi32>, vector<16xi1> -> vector<16xi32>
        %reduce_sum3A_301 = vector.extract %reduce_sum3A_300[15] : i32 from vector<16xi32>
        %eq3A_302 = vector.broadcast %reduce_max3A_292 : i32 to vector<16xi32>
        %eq3A_303 = arith.cmpi eq, %iota3A, %eq3A_302 : vector<16xi32>
        %jit3A_304 = arith.constant 0 : i32
        %broadcast_in_dim3A_305 = vector.broadcast %jit3A_304 : i32 to vector<16xi32>
        %select_n3A_306 = arith.select %eq3A_303, %masked_cumsum3A, %broadcast_in_dim3A_305 : vector<16xi1>, vector<16xi32>
        %reduce_sum3A_307 = arith.constant true
        %reduce_sum3A_308 = vector.broadcast %reduce_sum3A_307 : i1 to vector<16xi1>
        %reduce_sum3A_309 = tpu.scan <sum>, %select_n3A_306 masked %reduce_sum3A_308 : vector<16xi32>, vector<16xi1> -> vector<16xi32>
        %reduce_sum3A_310 = vector.extract %reduce_sum3A_309[15] : i32 from vector<16xi32>
        %mul3A_311 = arith.constant 16 : i32
        %mul3A_312 = arith.muli %sub3A_155, %mul3A_311 : i32
        %add3A_313 = arith.constant 15 : i32
        %add3A_314 = arith.addi %mul3A_312, %add3A_313 : i32
        %sub3A_315 = arith.subi %add3A_314, %reduce_max3A_292 : i32
        %add3A_316 = arith.addi %scan3A_150, %reduce_sum3A_310 : i32
        %sub3A_317 = arith.subi %add3A_316, %reduce_sum3A_301 : i32
        %eq3A_318 = arith.constant 1 : i32
        %eq3A_319 = arith.cmpi eq, %scan3A_151, %eq3A_318 : i32
        %add3A_320 = arith.addi %scan3A_150, %reduce_sum3A_275 : i32
        %select_n3A_321 = arith.select %eq3A_319, %scan3A_150, %add3A_320 : i32
        %select_n3A_322 = arith.select %and3A_280, %sub3A_317, %select_n3A_321 : i32
        %jit3A_323 = arith.constant 1 : i32
        %select_n3A_324 = arith.select %and3A_280, %jit3A_323, %scan3A_151 : i32
        %select_n3A_325 = arith.select %and3A_280, %sub3A_315, %scan3A_152 : i32
        %select_n3A_326 = arith.select %and3A_280, %reduce_sum3A_301, %scan3A_153 : i32
        scf.yield %select_n3A_322, %select_n3A_324, %select_n3A_325, %select_n3A_326 : i32, i32, i32, i32
      }
      %scan3A_76 = arith.constant 16 : i32
      %mul3A_77 = arith.constant 256 : i32
      %mul3A_78 = arith.muli %scan3A_29#2, %mul3A_77 : i32
      %add3A_79 = arith.addi %mul3A_78, %scan3A_75#2 : i32
      %parallel_loop3A_80 = arith.constant 0 : i32
      %parallel_loop3A_81 = arith.constant 256 : i32
      %parallel_loop3A_82 = arith.constant 1 : i32
      scf.for %parallel_loop3A_149 = %parallel_loop3A_80 to %parallel_loop3A_81 step %parallel_loop3A_82  : i32 {
        %parallel_loop3A_150 = arith.constant 16 : i32
        %parallel_loop3A_151 = arith.muli %parallel_loop3A_149, %parallel_loop3A_150 : i32
        %parallel_loop3A_152 = arith.index_cast %parallel_loop3A_151 : i32 to index
        %parallel_loop3A_153 = tpu.vector_load %arg6[%parallel_loop3A_152] {strides = array<i32>} : memref<4096xi32, #tpu.memory_space<vmem>>, vector<16xi32>,
        tpu.vector_store %arg6[%parallel_loop3A_152], %broadcast_in_dim3A_6 {strides = array<i32>} : memref<4096xi32, #tpu.memory_space<vmem>>, vector<16xi32>,
      } {sc.loop_unroll_factor = 8 : i64, sc.parallel_access}
      %while3A_83 = arith.constant 0 : i32
      %while3A_84 = arith.constant 0 : i32
      %while3A_85 = arith.subi %select_n3A, %while3A_84 : i32
      %while3A_86 = arith.addi %while3A_84, %while3A_85 : i32
      %while3A_87 = arith.constant 1 : i32
      %while3A_88 = arith.divsi %while3A_85, %while3A_87 : i32
      %while3A_89 = arith.muli %while3A_88, %while3A_87 : i32
      %while3A_90 = arith.addi %while3A_84, %while3A_89 : i32
      %while3A_91 = arith.constant 1 : i32
      scf.for %while3A_149 = %while3A_84 to %while3A_90 step %while3A_91  : i32 {
        %mul3A_150 = arith.constant 16 : i32
        %mul3A_151 = arith.muli %while3A_149, %mul3A_150 : i32
        %get3A = arith.index_cast %mul3A_151 : i32 to index
        %get3A_152 = tpu.vector_load %arg5[%get3A] {strides = array<i32>} : memref<32784xi32, #tpu.memory_space<vmem>>, vector<16xi32>,
        %mul3A_153 = arith.constant 16 : i32
        %mul3A_154 = arith.muli %while3A_149, %mul3A_153 : i32
        %add3A_155 = vector.broadcast %mul3A_154 : i32 to vector<16xi32>
        %add3A_156 = arith.addi %add3A_155, %iota3A : vector<16xi32>
        %lt3A = vector.broadcast %scan3A_29#3 : i32 to vector<16xi32>
        %lt3A_157 = arith.cmpi slt, %add3A_156, %lt3A : vector<16xi32>
        %shift_right_logical3A = arith.constant 16 : i32
        %shift_right_logical3A_158 = vector.broadcast %shift_right_logical3A : i32 to vector<16xi32>
        %shift_right_logical3A_159 = arith.shrui %get3A_152, %shift_right_logical3A_158 : vector<16xi32>
        %eq3A_160 = vector.broadcast %add3A_79 : i32 to vector<16xi32>
        %eq3A_161 = arith.cmpi eq, %shift_right_logical3A_159, %eq3A_160 : vector<16xi32>
        %and3A_162 = arith.andi %lt3A_157, %eq3A_161 : vector<16xi1>
        %shift_right_logical3A_163 = arith.constant 8 : i32
        %shift_right_logical3A_164 = vector.broadcast %shift_right_logical3A_163 : i32 to vector<16xi32>
        %shift_right_logical3A_165 = arith.shrui %get3A_152, %shift_right_logical3A_164 : vector<16xi32>
        %and3A_166 = arith.constant 255 : i32
        %and3A_167 = vector.broadcast %and3A_166 : i32 to vector<16xi32>
        %and3A_168 = arith.andi %shift_right_logical3A_165, %and3A_167 : vector<16xi32>
        %add3A_169 = arith.addi %mul3A_3, %and3A_168 : vector<16xi32>
        tpu.vector_store_idx %arg6[%add3A_169], %broadcast_in_dim3A_4 masked %and3A_162 {add = true} : memref<4096xi32, #tpu.memory_space<vmem>>[vector<16xi32>], vector<16xi32>, vector<16xi1>
      }
      %while3A_92 = arith.constant 1 : i32
      scf.for %while3A_149 = %while3A_90 to %while3A_86 step %while3A_92  : i32 {
        %mul3A_150 = arith.constant 16 : i32
        %mul3A_151 = arith.muli %while3A_149, %mul3A_150 : i32
        %get3A = arith.index_cast %mul3A_151 : i32 to index
        %get3A_152 = tpu.vector_load %arg5[%get3A] {strides = array<i32>} : memref<32784xi32, #tpu.memory_space<vmem>>, vector<16xi32>,
        %mul3A_153 = arith.constant 16 : i32
        %mul3A_154 = arith.muli %while3A_149, %mul3A_153 : i32
        %add3A_155 = vector.broadcast %mul3A_154 : i32 to vector<16xi32>
        %add3A_156 = arith.addi %add3A_155, %iota3A : vector<16xi32>
        %lt3A = vector.broadcast %scan3A_29#3 : i32 to vector<16xi32>
        %lt3A_157 = arith.cmpi slt, %add3A_156, %lt3A : vector<16xi32>
        %shift_right_logical3A = arith.constant 16 : i32
        %shift_right_logical3A_158 = vector.broadcast %shift_right_logical3A : i32 to vector<16xi32>
        %shift_right_logical3A_159 = arith.shrui %get3A_152, %shift_right_logical3A_158 : vector<16xi32>
        %eq3A_160 = vector.broadcast %add3A_79 : i32 to vector<16xi32>
        %eq3A_161 = arith.cmpi eq, %shift_right_logical3A_159, %eq3A_160 : vector<16xi32>
        %and3A_162 = arith.andi %lt3A_157, %eq3A_161 : vector<16xi1>
        %shift_right_logical3A_163 = arith.constant 8 : i32
        %shift_right_logical3A_164 = vector.broadcast %shift_right_logical3A_163 : i32 to vector<16xi32>
        %shift_right_logical3A_165 = arith.shrui %get3A_152, %shift_right_logical3A_164 : vector<16xi32>
        %and3A_166 = arith.constant 255 : i32
        %and3A_167 = vector.broadcast %and3A_166 : i32 to vector<16xi32>
        %and3A_168 = arith.andi %shift_right_logical3A_165, %and3A_167 : vector<16xi32>
        %add3A_169 = arith.addi %mul3A_3, %and3A_168 : vector<16xi32>
        tpu.vector_store_idx %arg6[%add3A_169], %broadcast_in_dim3A_4 masked %and3A_162 {add = true} : memref<4096xi32, #tpu.memory_space<vmem>>[vector<16xi32>], vector<16xi32>, vector<16xi1>
      }
      %scan3A_93 = arith.constant 0 : i32
      %scan3A_94 = arith.constant 0 : i32
      %scan3A_95 = arith.constant 0 : i32
      %scan3A_96 = arith.constant 0 : i32
      %scan3A_97 = arith.constant 16 : i32
      %scan3A_98 = arith.addi %scan3A_96, %scan3A_97 : i32
      %scan3A_99 = arith.constant 1 : i32
      %scan3A_100:4 = scf.for %scan3A_149 = %scan3A_96 to %scan3A_98 step %scan3A_99 iter_args(%scan3A_150 = %scan3A_75#0, %scan3A_151 = %scan3A_93, %scan3A_152 = %scan3A_94, %scan3A_153 = %scan3A_95) -> (i32, i32, i32, i32)  : i32 {
        %sub3A_154 = arith.constant 15 : i32
        %sub3A_155 = arith.subi %sub3A_154, %scan3A_149 : i32
        %mul3A_156 = arith.constant 16 : i32
        %mul3A_157 = arith.muli %sub3A_155, %mul3A_156 : i32
        %add3A_158 = arith.constant 0 : i32
        %add3A_159 = arith.addi %add3A_158, %mul3A_157 : i32
        %get3A = arith.index_cast %add3A_159 : i32 to index
        %get3A_160 = tpu.vector_load %arg6[%get3A] {strides = array<i32>} : memref<4096xi32, #tpu.memory_space<vmem>>, vector<16xi32>,
        %add3A_161 = arith.addi %broadcast_in_dim3A_6, %get3A_160 : vector<16xi32>
        %mul3A_162 = arith.constant 16 : i32
        %mul3A_163 = arith.muli %sub3A_155, %mul3A_162 : i32
        %add3A_164 = arith.constant 256 : i32
        %add3A_165 = arith.addi %add3A_164, %mul3A_163 : i32
        %get3A_166 = arith.index_cast %add3A_165 : i32 to index
        %get3A_167 = tpu.vector_load %arg6[%get3A_166] {strides = array<i32>} : memref<4096xi32, #tpu.memory_space<vmem>>, vector<16xi32>,
        %add3A_168 = arith.addi %add3A_161, %get3A_167 : vector<16xi32>
        %mul3A_169 = arith.constant 16 : i32
        %mul3A_170 = arith.muli %sub3A_155, %mul3A_169 : i32
        %add3A_171 = arith.constant 512 : i32
        %add3A_172 = arith.addi %add3A_171, %mul3A_170 : i32
        %get3A_173 = arith.index_cast %add3A_172 : i32 to index
        %get3A_174 = tpu.vector_load %arg6[%get3A_173] {strides = array<i32>} : memref<4096xi32, #tpu.memory_space<vmem>>, vector<16xi32>,
        %add3A_175 = arith.addi %add3A_168, %get3A_174 : vector<16xi32>
        %mul3A_176 = arith.constant 16 : i32
        %mul3A_177 = arith.muli %sub3A_155, %mul3A_176 : i32
        %add3A_178 = arith.constant 768 : i32
        %add3A_179 = arith.addi %add3A_178, %mul3A_177 : i32
        %get3A_180 = arith.index_cast %add3A_179 : i32 to index
        %get3A_181 = tpu.vector_load %arg6[%get3A_180] {strides = array<i32>} : memref<4096xi32, #tpu.memory_space<vmem>>, vector<16xi32>,
        %add3A_182 = arith.addi %add3A_175, %get3A_181 : vector<16xi32>
        %mul3A_183 = arith.constant 16 : i32
        %mul3A_184 = arith.muli %sub3A_155, %mul3A_183 : i32
        %add3A_185 = arith.constant 1024 : i32
        %add3A_186 = arith.addi %add3A_185, %mul3A_184 : i32
        %get3A_187 = arith.index_cast %add3A_186 : i32 to index
        %get3A_188 = tpu.vector_load %arg6[%get3A_187] {strides = array<i32>} : memref<4096xi32, #tpu.memory_space<vmem>>, vector<16xi32>,
        %add3A_189 = arith.addi %add3A_182, %get3A_188 : vector<16xi32>
        %mul3A_190 = arith.constant 16 : i32
        %mul3A_191 = arith.muli %sub3A_155, %mul3A_190 : i32
        %add3A_192 = arith.constant 1280 : i32
        %add3A_193 = arith.addi %add3A_192, %mul3A_191 : i32
        %get3A_194 = arith.index_cast %add3A_193 : i32 to index
        %get3A_195 = tpu.vector_load %arg6[%get3A_194] {strides = array<i32>} : memref<4096xi32, #tpu.memory_space<vmem>>, vector<16xi32>,
        %add3A_196 = arith.addi %add3A_189, %get3A_195 : vector<16xi32>
        %mul3A_197 = arith.constant 16 : i32
        %mul3A_198 = arith.muli %sub3A_155, %mul3A_197 : i32
        %add3A_199 = arith.constant 1536 : i32
        %add3A_200 = arith.addi %add3A_199, %mul3A_198 : i32
        %get3A_201 = arith.index_cast %add3A_200 : i32 to index
        %get3A_202 = tpu.vector_load %arg6[%get3A_201] {strides = array<i32>} : memref<4096xi32, #tpu.memory_space<vmem>>, vector<16xi32>,
        %add3A_203 = arith.addi %add3A_196, %get3A_202 : vector<16xi32>
        %mul3A_204 = arith.constant 16 : i32
        %mul3A_205 = arith.muli %sub3A_155, %mul3A_204 : i32
        %add3A_206 = arith.constant 1792 : i32
        %add3A_207 = arith.addi %add3A_206, %mul3A_205 : i32
        %get3A_208 = arith.index_cast %add3A_207 : i32 to index
        %get3A_209 = tpu.vector_load %arg6[%get3A_208] {strides = array<i32>} : memref<4096xi32, #tpu.memory_space<vmem>>, vector<16xi32>,
        %add3A_210 = arith.addi %add3A_203, %get3A_209 : vector<16xi32>
        %mul3A_211 = arith.constant 16 : i32
        %mul3A_212 = arith.muli %sub3A_155, %mul3A_211 : i32
        %add3A_213 = arith.constant 2048 : i32
        %add3A_214 = arith.addi %add3A_213, %mul3A_212 : i32
        %get3A_215 = arith.index_cast %add3A_214 : i32 to index
        %get3A_216 = tpu.vector_load %arg6[%get3A_215] {strides = array<i32>} : memref<4096xi32, #tpu.memory_space<vmem>>, vector<16xi32>,
        %add3A_217 = arith.addi %add3A_210, %get3A_216 : vector<16xi32>
        %mul3A_218 = arith.constant 16 : i32
        %mul3A_219 = arith.muli %sub3A_155, %mul3A_218 : i32
        %add3A_220 = arith.constant 2304 : i32
        %add3A_221 = arith.addi %add3A_220, %mul3A_219 : i32
        %get3A_222 = arith.index_cast %add3A_221 : i32 to index
        %get3A_223 = tpu.vector_load %arg6[%get3A_222] {strides = array<i32>} : memref<4096xi32, #tpu.memory_space<vmem>>, vector<16xi32>,
        %add3A_224 = arith.addi %add3A_217, %get3A_223 : vector<16xi32>
        %mul3A_225 = arith.constant 16 : i32
        %mul3A_226 = arith.muli %sub3A_155, %mul3A_225 : i32
        %add3A_227 = arith.constant 2560 : i32
        %add3A_228 = arith.addi %add3A_227, %mul3A_226 : i32
        %get3A_229 = arith.index_cast %add3A_228 : i32 to index
        %get3A_230 = tpu.vector_load %arg6[%get3A_229] {strides = array<i32>} : memref<4096xi32, #tpu.memory_space<vmem>>, vector<16xi32>,
        %add3A_231 = arith.addi %add3A_224, %get3A_230 : vector<16xi32>
        %mul3A_232 = arith.constant 16 : i32
        %mul3A_233 = arith.muli %sub3A_155, %mul3A_232 : i32
        %add3A_234 = arith.constant 2816 : i32
        %add3A_235 = arith.addi %add3A_234, %mul3A_233 : i32
        %get3A_236 = arith.index_cast %add3A_235 : i32 to index
        %get3A_237 = tpu.vector_load %arg6[%get3A_236] {strides = array<i32>} : memref<4096xi32, #tpu.memory_space<vmem>>, vector<16xi32>,
        %add3A_238 = arith.addi %add3A_231, %get3A_237 : vector<16xi32>
        %mul3A_239 = arith.constant 16 : i32
        %mul3A_240 = arith.muli %sub3A_155, %mul3A_239 : i32
        %add3A_241 = arith.constant 3072 : i32
        %add3A_242 = arith.addi %add3A_241, %mul3A_240 : i32
        %get3A_243 = arith.index_cast %add3A_242 : i32 to index
        %get3A_244 = tpu.vector_load %arg6[%get3A_243] {strides = array<i32>} : memref<4096xi32, #tpu.memory_space<vmem>>, vector<16xi32>,
        %add3A_245 = arith.addi %add3A_238, %get3A_244 : vector<16xi32>
        %mul3A_246 = arith.constant 16 : i32
        %mul3A_247 = arith.muli %sub3A_155, %mul3A_246 : i32
        %add3A_248 = arith.constant 3328 : i32
        %add3A_249 = arith.addi %add3A_248, %mul3A_247 : i32
        %get3A_250 = arith.index_cast %add3A_249 : i32 to index
        %get3A_251 = tpu.vector_load %arg6[%get3A_250] {strides = array<i32>} : memref<4096xi32, #tpu.memory_space<vmem>>, vector<16xi32>,
        %add3A_252 = arith.addi %add3A_245, %get3A_251 : vector<16xi32>
        %mul3A_253 = arith.constant 16 : i32
        %mul3A_254 = arith.muli %sub3A_155, %mul3A_253 : i32
        %add3A_255 = arith.constant 3584 : i32
        %add3A_256 = arith.addi %add3A_255, %mul3A_254 : i32
        %get3A_257 = arith.index_cast %add3A_256 : i32 to index
        %get3A_258 = tpu.vector_load %arg6[%get3A_257] {strides = array<i32>} : memref<4096xi32, #tpu.memory_space<vmem>>, vector<16xi32>,
        %add3A_259 = arith.addi %add3A_252, %get3A_258 : vector<16xi32>
        %mul3A_260 = arith.constant 16 : i32
        %mul3A_261 = arith.muli %sub3A_155, %mul3A_260 : i32
        %add3A_262 = arith.constant 3840 : i32
        %add3A_263 = arith.addi %add3A_262, %mul3A_261 : i32
        %get3A_264 = arith.index_cast %add3A_263 : i32 to index
        %get3A_265 = tpu.vector_load %arg6[%get3A_264] {strides = array<i32>} : memref<4096xi32, #tpu.memory_space<vmem>>, vector<16xi32>,
        %add3A_266 = arith.addi %add3A_259, %get3A_265 : vector<16xi32>
        %rev3A = arith.constant 15 : i32
        %rev3A_267 = vector.broadcast %rev3A : i32 to vector<16xi32>
        %rev3A_268 = tpu.iota {dimensions = array<i32: 0>} : vector<16xi32>
        %rev3A_269 = arith.subi %rev3A_267, %rev3A_268 : vector<16xi32>
        %rev3A_270 = tpu.dynamic_gather %add3A_266[%rev3A_269] in [0] : vector<16xi32>, vector<16xi32> -> vector<16xi32>
        %broadcast_in_dim3A_271 = arith.constant true
        %broadcast_in_dim3A_272 = vector.broadcast %broadcast_in_dim3A_271 : i1 to vector<16xi1>
        %masked_cumsum3A = tpu.scan <sum>, %rev3A_270 masked %broadcast_in_dim3A_272 : vector<16xi32>, vector<16xi1> -> vector<16xi32>
        %reduce_sum3A = arith.constant true
        %reduce_sum3A_273 = vector.broadcast %reduce_sum3A : i1 to vector<16xi1>
        %reduce_sum3A_274 = tpu.scan <sum>, %add3A_266 masked %reduce_sum3A_273 : vector<16xi32>, vector<16xi1> -> vector<16xi32>
        %reduce_sum3A_275 = vector.extract %reduce_sum3A_274[15] : i32 from vector<16xi32>
        %eq3A_276 = arith.constant 0 : i32
        %eq3A_277 = arith.cmpi eq, %scan3A_151, %eq3A_276 : i32
        %add3A_278 = arith.addi %scan3A_150, %reduce_sum3A_275 : i32
        %ge3A = arith.constant 64 : i32
        %ge3A_279 = arith.cmpi sge, %add3A_278, %ge3A : i32
        %and3A_280 = arith.andi %eq3A_277, %ge3A_279 : i1
        %add3A_281 = vector.broadcast %scan3A_150 : i32 to vector<16xi32>
        %add3A_282 = arith.addi %add3A_281, %masked_cumsum3A : vector<16xi32>
        %ge3A_283 = arith.constant 64 : i32
        %ge3A_284 = vector.broadcast %ge3A_283 : i32 to vector<16xi32>
        %ge3A_285 = arith.cmpi sge, %add3A_282, %ge3A_284 : vector<16xi32>
        %all_reduce_ffs3A = tpu.all_reduce %ge3A_285 {dim = 0 : i64, kind = #tpu.reduction_kind<find_first_set>} : vector<16xi1> -> vector<16xi32>
        %reduce_max3A = arith.constant true
        %reduce_max3A_286 = vector.broadcast %reduce_max3A : i1 to vector<16xi1>
        %reduce_max3A_287 = arith.constant -2147483648 : i32
        %reduce_max3A_288 = vector.broadcast %reduce_max3A_287 : i32 to vector<16xi32>
        %reduce_max3A_289 = arith.xori %all_reduce_ffs3A, %reduce_max3A_288 : vector<16xi32>
        %reduce_max3A_290 = tpu.scan <max>, %reduce_max3A_289 masked %reduce_max3A_286 : vector<16xi32>, vector<16xi1> -> vector<16xi32>
        %reduce_max3A_291 = arith.xori %reduce_max3A_290, %reduce_max3A_288 : vector<16xi32>
        %reduce_max3A_292 = vector.extract %reduce_max3A_291[15] : i32 from vector<16xi32>
        %eq3A_293 = vector.broadcast %reduce_max3A_292 : i32 to vector<16xi32>
        %eq3A_294 = arith.cmpi eq, %iota3A, %eq3A_293 : vector<16xi32>
        %jit3A_295 = arith.constant 0 : i32
        %broadcast_in_dim3A_296 = vector.broadcast %jit3A_295 : i32 to vector<16xi32>
        %select_n3A_297 = arith.select %eq3A_294, %rev3A_270, %broadcast_in_dim3A_296 : vector<16xi1>, vector<16xi32>
        %reduce_sum3A_298 = arith.constant true
        %reduce_sum3A_299 = vector.broadcast %reduce_sum3A_298 : i1 to vector<16xi1>
        %reduce_sum3A_300 = tpu.scan <sum>, %select_n3A_297 masked %reduce_sum3A_299 : vector<16xi32>, vector<16xi1> -> vector<16xi32>
        %reduce_sum3A_301 = vector.extract %reduce_sum3A_300[15] : i32 from vector<16xi32>
        %eq3A_302 = vector.broadcast %reduce_max3A_292 : i32 to vector<16xi32>
        %eq3A_303 = arith.cmpi eq, %iota3A, %eq3A_302 : vector<16xi32>
        %jit3A_304 = arith.constant 0 : i32
        %broadcast_in_dim3A_305 = vector.broadcast %jit3A_304 : i32 to vector<16xi32>
        %select_n3A_306 = arith.select %eq3A_303, %masked_cumsum3A, %broadcast_in_dim3A_305 : vector<16xi1>, vector<16xi32>
        %reduce_sum3A_307 = arith.constant true
        %reduce_sum3A_308 = vector.broadcast %reduce_sum3A_307 : i1 to vector<16xi1>
        %reduce_sum3A_309 = tpu.scan <sum>, %select_n3A_306 masked %reduce_sum3A_308 : vector<16xi32>, vector<16xi1> -> vector<16xi32>
        %reduce_sum3A_310 = vector.extract %reduce_sum3A_309[15] : i32 from vector<16xi32>
        %mul3A_311 = arith.constant 16 : i32
        %mul3A_312 = arith.muli %sub3A_155, %mul3A_311 : i32
        %add3A_313 = arith.constant 15 : i32
        %add3A_314 = arith.addi %mul3A_312, %add3A_313 : i32
        %sub3A_315 = arith.subi %add3A_314, %reduce_max3A_292 : i32
        %add3A_316 = arith.addi %scan3A_150, %reduce_sum3A_310 : i32
        %sub3A_317 = arith.subi %add3A_316, %reduce_sum3A_301 : i32
        %eq3A_318 = arith.constant 1 : i32
        %eq3A_319 = arith.cmpi eq, %scan3A_151, %eq3A_318 : i32
        %add3A_320 = arith.addi %scan3A_150, %reduce_sum3A_275 : i32
        %select_n3A_321 = arith.select %eq3A_319, %scan3A_150, %add3A_320 : i32
        %select_n3A_322 = arith.select %and3A_280, %sub3A_317, %select_n3A_321 : i32
        %jit3A_323 = arith.constant 1 : i32
        %select_n3A_324 = arith.select %and3A_280, %jit3A_323, %scan3A_151 : i32
        %select_n3A_325 = arith.select %and3A_280, %sub3A_315, %scan3A_152 : i32
        %select_n3A_326 = arith.select %and3A_280, %reduce_sum3A_301, %scan3A_153 : i32
        scf.yield %select_n3A_322, %select_n3A_324, %select_n3A_325, %select_n3A_326 : i32, i32, i32, i32
      }
      %scan3A_101 = arith.constant 16 : i32
      %mul3A_102 = arith.constant 256 : i32
      %mul3A_103 = arith.muli %add3A_79, %mul3A_102 : i32
      %add3A_104 = arith.addi %mul3A_103, %scan3A_100#2 : i32
      %parallel_loop3A_105 = arith.constant 0 : i32
      %parallel_loop3A_106 = arith.constant 256 : i32
      %parallel_loop3A_107 = arith.constant 1 : i32
      scf.for %parallel_loop3A_149 = %parallel_loop3A_105 to %parallel_loop3A_106 step %parallel_loop3A_107  : i32 {
        %parallel_loop3A_150 = arith.constant 16 : i32
        %parallel_loop3A_151 = arith.muli %parallel_loop3A_149, %parallel_loop3A_150 : i32
        %parallel_loop3A_152 = arith.index_cast %parallel_loop3A_151 : i32 to index
        %parallel_loop3A_153 = tpu.vector_load %arg6[%parallel_loop3A_152] {strides = array<i32>} : memref<4096xi32, #tpu.memory_space<vmem>>, vector<16xi32>,
        tpu.vector_store %arg6[%parallel_loop3A_152], %broadcast_in_dim3A_6 {strides = array<i32>} : memref<4096xi32, #tpu.memory_space<vmem>>, vector<16xi32>,
      } {sc.loop_unroll_factor = 8 : i64, sc.parallel_access}
      %while3A_108 = arith.constant 0 : i32
      %while3A_109 = arith.constant 0 : i32
      %while3A_110 = arith.subi %select_n3A, %while3A_109 : i32
      %while3A_111 = arith.addi %while3A_109, %while3A_110 : i32
      %while3A_112 = arith.constant 1 : i32
      %while3A_113 = arith.divsi %while3A_110, %while3A_112 : i32
      %while3A_114 = arith.muli %while3A_113, %while3A_112 : i32
      %while3A_115 = arith.addi %while3A_109, %while3A_114 : i32
      %while3A_116 = arith.constant 1 : i32
      scf.for %while3A_149 = %while3A_109 to %while3A_115 step %while3A_116  : i32 {
        %mul3A_150 = arith.constant 16 : i32
        %mul3A_151 = arith.muli %while3A_149, %mul3A_150 : i32
        %get3A = arith.index_cast %mul3A_151 : i32 to index
        %get3A_152 = tpu.vector_load %arg5[%get3A] {strides = array<i32>} : memref<32784xi32, #tpu.memory_space<vmem>>, vector<16xi32>,
        %mul3A_153 = arith.constant 16 : i32
        %mul3A_154 = arith.muli %while3A_149, %mul3A_153 : i32
        %add3A_155 = vector.broadcast %mul3A_154 : i32 to vector<16xi32>
        %add3A_156 = arith.addi %add3A_155, %iota3A : vector<16xi32>
        %lt3A = vector.broadcast %scan3A_29#3 : i32 to vector<16xi32>
        %lt3A_157 = arith.cmpi slt, %add3A_156, %lt3A : vector<16xi32>
        %shift_right_logical3A = arith.constant 8 : i32
        %shift_right_logical3A_158 = vector.broadcast %shift_right_logical3A : i32 to vector<16xi32>
        %shift_right_logical3A_159 = arith.shrui %get3A_152, %shift_right_logical3A_158 : vector<16xi32>
        %eq3A_160 = vector.broadcast %add3A_104 : i32 to vector<16xi32>
        %eq3A_161 = arith.cmpi eq, %shift_right_logical3A_159, %eq3A_160 : vector<16xi32>
        %and3A_162 = arith.andi %lt3A_157, %eq3A_161 : vector<16xi1>
        %shift_right_logical3A_163 = arith.constant 0 : i32
        %shift_right_logical3A_164 = vector.broadcast %shift_right_logical3A_163 : i32 to vector<16xi32>
        %shift_right_logical3A_165 = arith.shrui %get3A_152, %shift_right_logical3A_164 : vector<16xi32>
        %and3A_166 = arith.constant 255 : i32
        %and3A_167 = vector.broadcast %and3A_166 : i32 to vector<16xi32>
        %and3A_168 = arith.andi %shift_right_logical3A_165, %and3A_167 : vector<16xi32>
        %add3A_169 = arith.addi %mul3A_3, %and3A_168 : vector<16xi32>
        tpu.vector_store_idx %arg6[%add3A_169], %broadcast_in_dim3A_4 masked %and3A_162 {add = true} : memref<4096xi32, #tpu.memory_space<vmem>>[vector<16xi32>], vector<16xi32>, vector<16xi1>
      }
      %while3A_117 = arith.constant 1 : i32
      scf.for %while3A_149 = %while3A_115 to %while3A_111 step %while3A_117  : i32 {
        %mul3A_150 = arith.constant 16 : i32
        %mul3A_151 = arith.muli %while3A_149, %mul3A_150 : i32
        %get3A = arith.index_cast %mul3A_151 : i32 to index
        %get3A_152 = tpu.vector_load %arg5[%get3A] {strides = array<i32>} : memref<32784xi32, #tpu.memory_space<vmem>>, vector<16xi32>,
        %mul3A_153 = arith.constant 16 : i32
        %mul3A_154 = arith.muli %while3A_149, %mul3A_153 : i32
        %add3A_155 = vector.broadcast %mul3A_154 : i32 to vector<16xi32>
        %add3A_156 = arith.addi %add3A_155, %iota3A : vector<16xi32>
        %lt3A = vector.broadcast %scan3A_29#3 : i32 to vector<16xi32>
        %lt3A_157 = arith.cmpi slt, %add3A_156, %lt3A : vector<16xi32>
        %shift_right_logical3A = arith.constant 8 : i32
        %shift_right_logical3A_158 = vector.broadcast %shift_right_logical3A : i32 to vector<16xi32>
        %shift_right_logical3A_159 = arith.shrui %get3A_152, %shift_right_logical3A_158 : vector<16xi32>
        %eq3A_160 = vector.broadcast %add3A_104 : i32 to vector<16xi32>
        %eq3A_161 = arith.cmpi eq, %shift_right_logical3A_159, %eq3A_160 : vector<16xi32>
        %and3A_162 = arith.andi %lt3A_157, %eq3A_161 : vector<16xi1>
        %shift_right_logical3A_163 = arith.constant 0 : i32
        %shift_right_logical3A_164 = vector.broadcast %shift_right_logical3A_163 : i32 to vector<16xi32>
        %shift_right_logical3A_165 = arith.shrui %get3A_152, %shift_right_logical3A_164 : vector<16xi32>
        %and3A_166 = arith.constant 255 : i32
        %and3A_167 = vector.broadcast %and3A_166 : i32 to vector<16xi32>
        %and3A_168 = arith.andi %shift_right_logical3A_165, %and3A_167 : vector<16xi32>
        %add3A_169 = arith.addi %mul3A_3, %and3A_168 : vector<16xi32>
        tpu.vector_store_idx %arg6[%add3A_169], %broadcast_in_dim3A_4 masked %and3A_162 {add = true} : memref<4096xi32, #tpu.memory_space<vmem>>[vector<16xi32>], vector<16xi32>, vector<16xi1>
      }
      %scan3A_118 = arith.constant 0 : i32
      %scan3A_119 = arith.constant 0 : i32
      %scan3A_120 = arith.constant 0 : i32
      %scan3A_121 = arith.constant 0 : i32
      %scan3A_122 = arith.constant 16 : i32
      %scan3A_123 = arith.addi %scan3A_121, %scan3A_122 : i32
      %scan3A_124 = arith.constant 1 : i32
      %scan3A_125:4 = scf.for %scan3A_149 = %scan3A_121 to %scan3A_123 step %scan3A_124 iter_args(%scan3A_150 = %scan3A_100#0, %scan3A_151 = %scan3A_118, %scan3A_152 = %scan3A_119, %scan3A_153 = %scan3A_120) -> (i32, i32, i32, i32)  : i32 {
        %sub3A_154 = arith.constant 15 : i32
        %sub3A_155 = arith.subi %sub3A_154, %scan3A_149 : i32
        %mul3A_156 = arith.constant 16 : i32
        %mul3A_157 = arith.muli %sub3A_155, %mul3A_156 : i32
        %add3A_158 = arith.constant 0 : i32
        %add3A_159 = arith.addi %add3A_158, %mul3A_157 : i32
        %get3A = arith.index_cast %add3A_159 : i32 to index
        %get3A_160 = tpu.vector_load %arg6[%get3A] {strides = array<i32>} : memref<4096xi32, #tpu.memory_space<vmem>>, vector<16xi32>,
        %add3A_161 = arith.addi %broadcast_in_dim3A_6, %get3A_160 : vector<16xi32>
        %mul3A_162 = arith.constant 16 : i32
        %mul3A_163 = arith.muli %sub3A_155, %mul3A_162 : i32
        %add3A_164 = arith.constant 256 : i32
        %add3A_165 = arith.addi %add3A_164, %mul3A_163 : i32
        %get3A_166 = arith.index_cast %add3A_165 : i32 to index
        %get3A_167 = tpu.vector_load %arg6[%get3A_166] {strides = array<i32>} : memref<4096xi32, #tpu.memory_space<vmem>>, vector<16xi32>,
        %add3A_168 = arith.addi %add3A_161, %get3A_167 : vector<16xi32>
        %mul3A_169 = arith.constant 16 : i32
        %mul3A_170 = arith.muli %sub3A_155, %mul3A_169 : i32
        %add3A_171 = arith.constant 512 : i32
        %add3A_172 = arith.addi %add3A_171, %mul3A_170 : i32
        %get3A_173 = arith.index_cast %add3A_172 : i32 to index
        %get3A_174 = tpu.vector_load %arg6[%get3A_173] {strides = array<i32>} : memref<4096xi32, #tpu.memory_space<vmem>>, vector<16xi32>,
        %add3A_175 = arith.addi %add3A_168, %get3A_174 : vector<16xi32>
        %mul3A_176 = arith.constant 16 : i32
        %mul3A_177 = arith.muli %sub3A_155, %mul3A_176 : i32
        %add3A_178 = arith.constant 768 : i32
        %add3A_179 = arith.addi %add3A_178, %mul3A_177 : i32
        %get3A_180 = arith.index_cast %add3A_179 : i32 to index
        %get3A_181 = tpu.vector_load %arg6[%get3A_180] {strides = array<i32>} : memref<4096xi32, #tpu.memory_space<vmem>>, vector<16xi32>,
        %add3A_182 = arith.addi %add3A_175, %get3A_181 : vector<16xi32>
        %mul3A_183 = arith.constant 16 : i32
        %mul3A_184 = arith.muli %sub3A_155, %mul3A_183 : i32
        %add3A_185 = arith.constant 1024 : i32
        %add3A_186 = arith.addi %add3A_185, %mul3A_184 : i32
        %get3A_187 = arith.index_cast %add3A_186 : i32 to index
        %get3A_188 = tpu.vector_load %arg6[%get3A_187] {strides = array<i32>} : memref<4096xi32, #tpu.memory_space<vmem>>, vector<16xi32>,
        %add3A_189 = arith.addi %add3A_182, %get3A_188 : vector<16xi32>
        %mul3A_190 = arith.constant 16 : i32
        %mul3A_191 = arith.muli %sub3A_155, %mul3A_190 : i32
        %add3A_192 = arith.constant 1280 : i32
        %add3A_193 = arith.addi %add3A_192, %mul3A_191 : i32
        %get3A_194 = arith.index_cast %add3A_193 : i32 to index
        %get3A_195 = tpu.vector_load %arg6[%get3A_194] {strides = array<i32>} : memref<4096xi32, #tpu.memory_space<vmem>>, vector<16xi32>,
        %add3A_196 = arith.addi %add3A_189, %get3A_195 : vector<16xi32>
        %mul3A_197 = arith.constant 16 : i32
        %mul3A_198 = arith.muli %sub3A_155, %mul3A_197 : i32
        %add3A_199 = arith.constant 1536 : i32
        %add3A_200 = arith.addi %add3A_199, %mul3A_198 : i32
        %get3A_201 = arith.index_cast %add3A_200 : i32 to index
        %get3A_202 = tpu.vector_load %arg6[%get3A_201] {strides = array<i32>} : memref<4096xi32, #tpu.memory_space<vmem>>, vector<16xi32>,
        %add3A_203 = arith.addi %add3A_196, %get3A_202 : vector<16xi32>
        %mul3A_204 = arith.constant 16 : i32
        %mul3A_205 = arith.muli %sub3A_155, %mul3A_204 : i32
        %add3A_206 = arith.constant 1792 : i32
        %add3A_207 = arith.addi %add3A_206, %mul3A_205 : i32
        %get3A_208 = arith.index_cast %add3A_207 : i32 to index
        %get3A_209 = tpu.vector_load %arg6[%get3A_208] {strides = array<i32>} : memref<4096xi32, #tpu.memory_space<vmem>>, vector<16xi32>,
        %add3A_210 = arith.addi %add3A_203, %get3A_209 : vector<16xi32>
        %mul3A_211 = arith.constant 16 : i32
        %mul3A_212 = arith.muli %sub3A_155, %mul3A_211 : i32
        %add3A_213 = arith.constant 2048 : i32
        %add3A_214 = arith.addi %add3A_213, %mul3A_212 : i32
        %get3A_215 = arith.index_cast %add3A_214 : i32 to index
        %get3A_216 = tpu.vector_load %arg6[%get3A_215] {strides = array<i32>} : memref<4096xi32, #tpu.memory_space<vmem>>, vector<16xi32>,
        %add3A_217 = arith.addi %add3A_210, %get3A_216 : vector<16xi32>
        %mul3A_218 = arith.constant 16 : i32
        %mul3A_219 = arith.muli %sub3A_155, %mul3A_218 : i32
        %add3A_220 = arith.constant 2304 : i32
        %add3A_221 = arith.addi %add3A_220, %mul3A_219 : i32
        %get3A_222 = arith.index_cast %add3A_221 : i32 to index
        %get3A_223 = tpu.vector_load %arg6[%get3A_222] {strides = array<i32>} : memref<4096xi32, #tpu.memory_space<vmem>>, vector<16xi32>,
        %add3A_224 = arith.addi %add3A_217, %get3A_223 : vector<16xi32>
        %mul3A_225 = arith.constant 16 : i32
        %mul3A_226 = arith.muli %sub3A_155, %mul3A_225 : i32
        %add3A_227 = arith.constant 2560 : i32
        %add3A_228 = arith.addi %add3A_227, %mul3A_226 : i32
        %get3A_229 = arith.index_cast %add3A_228 : i32 to index
        %get3A_230 = tpu.vector_load %arg6[%get3A_229] {strides = array<i32>} : memref<4096xi32, #tpu.memory_space<vmem>>, vector<16xi32>,
        %add3A_231 = arith.addi %add3A_224, %get3A_230 : vector<16xi32>
        %mul3A_232 = arith.constant 16 : i32
        %mul3A_233 = arith.muli %sub3A_155, %mul3A_232 : i32
        %add3A_234 = arith.constant 2816 : i32
        %add3A_235 = arith.addi %add3A_234, %mul3A_233 : i32
        %get3A_236 = arith.index_cast %add3A_235 : i32 to index
        %get3A_237 = tpu.vector_load %arg6[%get3A_236] {strides = array<i32>} : memref<4096xi32, #tpu.memory_space<vmem>>, vector<16xi32>,
        %add3A_238 = arith.addi %add3A_231, %get3A_237 : vector<16xi32>
        %mul3A_239 = arith.constant 16 : i32
        %mul3A_240 = arith.muli %sub3A_155, %mul3A_239 : i32
        %add3A_241 = arith.constant 3072 : i32
        %add3A_242 = arith.addi %add3A_241, %mul3A_240 : i32
        %get3A_243 = arith.index_cast %add3A_242 : i32 to index
        %get3A_244 = tpu.vector_load %arg6[%get3A_243] {strides = array<i32>} : memref<4096xi32, #tpu.memory_space<vmem>>, vector<16xi32>,
        %add3A_245 = arith.addi %add3A_238, %get3A_244 : vector<16xi32>
        %mul3A_246 = arith.constant 16 : i32
        %mul3A_247 = arith.muli %sub3A_155, %mul3A_246 : i32
        %add3A_248 = arith.constant 3328 : i32
        %add3A_249 = arith.addi %add3A_248, %mul3A_247 : i32
        %get3A_250 = arith.index_cast %add3A_249 : i32 to index
        %get3A_251 = tpu.vector_load %arg6[%get3A_250] {strides = array<i32>} : memref<4096xi32, #tpu.memory_space<vmem>>, vector<16xi32>,
        %add3A_252 = arith.addi %add3A_245, %get3A_251 : vector<16xi32>
        %mul3A_253 = arith.constant 16 : i32
        %mul3A_254 = arith.muli %sub3A_155, %mul3A_253 : i32
        %add3A_255 = arith.constant 3584 : i32
        %add3A_256 = arith.addi %add3A_255, %mul3A_254 : i32
        %get3A_257 = arith.index_cast %add3A_256 : i32 to index
        %get3A_258 = tpu.vector_load %arg6[%get3A_257] {strides = array<i32>} : memref<4096xi32, #tpu.memory_space<vmem>>, vector<16xi32>,
        %add3A_259 = arith.addi %add3A_252, %get3A_258 : vector<16xi32>
        %mul3A_260 = arith.constant 16 : i32
        %mul3A_261 = arith.muli %sub3A_155, %mul3A_260 : i32
        %add3A_262 = arith.constant 3840 : i32
        %add3A_263 = arith.addi %add3A_262, %mul3A_261 : i32
        %get3A_264 = arith.index_cast %add3A_263 : i32 to index
        %get3A_265 = tpu.vector_load %arg6[%get3A_264] {strides = array<i32>} : memref<4096xi32, #tpu.memory_space<vmem>>, vector<16xi32>,
        %add3A_266 = arith.addi %add3A_259, %get3A_265 : vector<16xi32>
        %rev3A = arith.constant 15 : i32
        %rev3A_267 = vector.broadcast %rev3A : i32 to vector<16xi32>
        %rev3A_268 = tpu.iota {dimensions = array<i32: 0>} : vector<16xi32>
        %rev3A_269 = arith.subi %rev3A_267, %rev3A_268 : vector<16xi32>
        %rev3A_270 = tpu.dynamic_gather %add3A_266[%rev3A_269] in [0] : vector<16xi32>, vector<16xi32> -> vector<16xi32>
        %broadcast_in_dim3A_271 = arith.constant true
        %broadcast_in_dim3A_272 = vector.broadcast %broadcast_in_dim3A_271 : i1 to vector<16xi1>
        %masked_cumsum3A = tpu.scan <sum>, %rev3A_270 masked %broadcast_in_dim3A_272 : vector<16xi32>, vector<16xi1> -> vector<16xi32>
        %reduce_sum3A = arith.constant true
        %reduce_sum3A_273 = vector.broadcast %reduce_sum3A : i1 to vector<16xi1>
        %reduce_sum3A_274 = tpu.scan <sum>, %add3A_266 masked %reduce_sum3A_273 : vector<16xi32>, vector<16xi1> -> vector<16xi32>
        %reduce_sum3A_275 = vector.extract %reduce_sum3A_274[15] : i32 from vector<16xi32>
        %eq3A_276 = arith.constant 0 : i32
        %eq3A_277 = arith.cmpi eq, %scan3A_151, %eq3A_276 : i32
        %add3A_278 = arith.addi %scan3A_150, %reduce_sum3A_275 : i32
        %ge3A = arith.constant 64 : i32
        %ge3A_279 = arith.cmpi sge, %add3A_278, %ge3A : i32
        %and3A_280 = arith.andi %eq3A_277, %ge3A_279 : i1
        %add3A_281 = vector.broadcast %scan3A_150 : i32 to vector<16xi32>
        %add3A_282 = arith.addi %add3A_281, %masked_cumsum3A : vector<16xi32>
        %ge3A_283 = arith.constant 64 : i32
        %ge3A_284 = vector.broadcast %ge3A_283 : i32 to vector<16xi32>
        %ge3A_285 = arith.cmpi sge, %add3A_282, %ge3A_284 : vector<16xi32>
        %all_reduce_ffs3A = tpu.all_reduce %ge3A_285 {dim = 0 : i64, kind = #tpu.reduction_kind<find_first_set>} : vector<16xi1> -> vector<16xi32>
        %reduce_max3A = arith.constant true
        %reduce_max3A_286 = vector.broadcast %reduce_max3A : i1 to vector<16xi1>
        %reduce_max3A_287 = arith.constant -2147483648 : i32
        %reduce_max3A_288 = vector.broadcast %reduce_max3A_287 : i32 to vector<16xi32>
        %reduce_max3A_289 = arith.xori %all_reduce_ffs3A, %reduce_max3A_288 : vector<16xi32>
        %reduce_max3A_290 = tpu.scan <max>, %reduce_max3A_289 masked %reduce_max3A_286 : vector<16xi32>, vector<16xi1> -> vector<16xi32>
        %reduce_max3A_291 = arith.xori %reduce_max3A_290, %reduce_max3A_288 : vector<16xi32>
        %reduce_max3A_292 = vector.extract %reduce_max3A_291[15] : i32 from vector<16xi32>
        %eq3A_293 = vector.broadcast %reduce_max3A_292 : i32 to vector<16xi32>
        %eq3A_294 = arith.cmpi eq, %iota3A, %eq3A_293 : vector<16xi32>
        %jit3A_295 = arith.constant 0 : i32
        %broadcast_in_dim3A_296 = vector.broadcast %jit3A_295 : i32 to vector<16xi32>
        %select_n3A_297 = arith.select %eq3A_294, %rev3A_270, %broadcast_in_dim3A_296 : vector<16xi1>, vector<16xi32>
        %reduce_sum3A_298 = arith.constant true
        %reduce_sum3A_299 = vector.broadcast %reduce_sum3A_298 : i1 to vector<16xi1>
        %reduce_sum3A_300 = tpu.scan <sum>, %select_n3A_297 masked %reduce_sum3A_299 : vector<16xi32>, vector<16xi1> -> vector<16xi32>
        %reduce_sum3A_301 = vector.extract %reduce_sum3A_300[15] : i32 from vector<16xi32>
        %eq3A_302 = vector.broadcast %reduce_max3A_292 : i32 to vector<16xi32>
        %eq3A_303 = arith.cmpi eq, %iota3A, %eq3A_302 : vector<16xi32>
        %jit3A_304 = arith.constant 0 : i32
        %broadcast_in_dim3A_305 = vector.broadcast %jit3A_304 : i32 to vector<16xi32>
        %select_n3A_306 = arith.select %eq3A_303, %masked_cumsum3A, %broadcast_in_dim3A_305 : vector<16xi1>, vector<16xi32>
        %reduce_sum3A_307 = arith.constant true
        %reduce_sum3A_308 = vector.broadcast %reduce_sum3A_307 : i1 to vector<16xi1>
        %reduce_sum3A_309 = tpu.scan <sum>, %select_n3A_306 masked %reduce_sum3A_308 : vector<16xi32>, vector<16xi1> -> vector<16xi32>
        %reduce_sum3A_310 = vector.extract %reduce_sum3A_309[15] : i32 from vector<16xi32>
        %mul3A_311 = arith.constant 16 : i32
        %mul3A_312 = arith.muli %sub3A_155, %mul3A_311 : i32
        %add3A_313 = arith.constant 15 : i32
        %add3A_314 = arith.addi %mul3A_312, %add3A_313 : i32
        %sub3A_315 = arith.subi %add3A_314, %reduce_max3A_292 : i32
        %add3A_316 = arith.addi %scan3A_150, %reduce_sum3A_310 : i32
        %sub3A_317 = arith.subi %add3A_316, %reduce_sum3A_301 : i32
        %eq3A_318 = arith.constant 1 : i32
        %eq3A_319 = arith.cmpi eq, %scan3A_151, %eq3A_318 : i32
        %add3A_320 = arith.addi %scan3A_150, %reduce_sum3A_275 : i32
        %select_n3A_321 = arith.select %eq3A_319, %scan3A_150, %add3A_320 : i32
        %select_n3A_322 = arith.select %and3A_280, %sub3A_317, %select_n3A_321 : i32
        %jit3A_323 = arith.constant 1 : i32
        %select_n3A_324 = arith.select %and3A_280, %jit3A_323, %scan3A_151 : i32
        %select_n3A_325 = arith.select %and3A_280, %sub3A_315, %scan3A_152 : i32
        %select_n3A_326 = arith.select %and3A_280, %reduce_sum3A_301, %scan3A_153 : i32
        scf.yield %select_n3A_322, %select_n3A_324, %select_n3A_325, %select_n3A_326 : i32, i32, i32, i32
      }
      %scan3A_126 = arith.constant 16 : i32
      %mul3A_127 = arith.constant 256 : i32
      %mul3A_128 = arith.muli %add3A_104, %mul3A_127 : i32
      %add3A_129 = arith.addi %mul3A_128, %scan3A_125#2 : i32
      %xor3A = arith.constant -2147483648 : i32
      %xor3A_130 = arith.xori %add3A_129, %xor3A : i32
      %sub3A_131 = arith.constant 64 : i32
      %sub3A_132 = arith.subi %sub3A_131, %scan3A_125#0 : i32
      %eq3A = arith.cmpi eq, %scan3A_125#3, %sub3A_132 : i32
      %convert_element_type3A = arith.extui %eq3A : i1 to i32
      %cond3A = arith.constant 0 : i32
      %cond3A_133 = arith.constant 0 : i32
      %cond3A_134 = arith.cmpi ne, %convert_element_type3A, %cond3A_133 : i32
      %cond3A_135 = scf.if %cond3A_134 -> (i32) {
        %cond3A_149 = arith.constant 32767 : i32
        scf.yield %cond3A_149 : i32
      } else {
        %scan3A_149 = arith.constant 0 : i32
        %scan3A_150 = arith.constant 32767 : i32
        %scan3A_151 = arith.constant 0 : i32
        %scan3A_152 = arith.constant 0 : i32
        %scan3A_153 = arith.constant 2048 : i32
        %scan3A_154 = arith.addi %scan3A_152, %scan3A_153 : i32
        %scan3A_155 = arith.constant 1 : i32
        %scan3A_156:3 = scf.for %scan3A_158 = %scan3A_152 to %scan3A_154 step %scan3A_155 iter_args(%scan3A_159 = %scan3A_149, %scan3A_160 = %scan3A_150, %scan3A_161 = %scan3A_151) -> (i32, i32, i32)  : i32 {
          %mul3A_162 = arith.constant 16 : i32
          %mul3A_163 = arith.muli %scan3A_158, %mul3A_162 : i32
          %get3A = arith.index_cast %mul3A_163 : i32 to index
          %get3A_164 = tpu.vector_load %arg4[%get3A] {strides = array<i32>} : memref<32768xi32, #tpu.memory_space<vmem>>, vector<16xi32>,
          %xor3A_165 = arith.constant -2147483648 : i32
          %xor3A_166 = vector.broadcast %xor3A_165 : i32 to vector<16xi32>
          %xor3A_167 = arith.xori %get3A_164, %xor3A_166 : vector<16xi32>
          %eq3A_168 = vector.broadcast %xor3A_130 : i32 to vector<16xi32>
          %eq3A_169 = arith.cmpi eq, %xor3A_167, %eq3A_168 : vector<16xi32>
          %jit3A_170 = arith.constant 1 : i32
          %jit3A_171 = arith.constant 0 : i32
          %broadcast_in_dim3A_172 = vector.broadcast %jit3A_170 : i32 to vector<16xi32>
          %broadcast_in_dim3A_173 = vector.broadcast %jit3A_171 : i32 to vector<16xi32>
          %select_n3A_174 = arith.select %eq3A_169, %broadcast_in_dim3A_172, %broadcast_in_dim3A_173 : vector<16xi1>, vector<16xi32>
          %broadcast_in_dim3A_175 = arith.constant true
          %broadcast_in_dim3A_176 = vector.broadcast %broadcast_in_dim3A_175 : i1 to vector<16xi1>
          %masked_cumsum3A = tpu.scan <sum>, %select_n3A_174 masked %broadcast_in_dim3A_176 : vector<16xi32>, vector<16xi1> -> vector<16xi32>
          %add3A_177 = vector.broadcast %scan3A_159 : i32 to vector<16xi32>
          %add3A_178 = arith.addi %add3A_177, %masked_cumsum3A : vector<16xi32>
          %eq3A_179 = vector.broadcast %sub3A_132 : i32 to vector<16xi32>
          %eq3A_180 = arith.cmpi eq, %add3A_178, %eq3A_179 : vector<16xi32>
          %and3A_181 = arith.andi %eq3A_169, %eq3A_180 : vector<16xi1>
          %all_reduce_ffs3A = tpu.all_reduce %and3A_181 {dim = 0 : i64, kind = #tpu.reduction_kind<find_first_set>} : vector<16xi1> -> vector<16xi32>
          %reduce_max3A = arith.constant true
          %reduce_max3A_182 = vector.broadcast %reduce_max3A : i1 to vector<16xi1>
          %reduce_max3A_183 = arith.constant -2147483648 : i32
          %reduce_max3A_184 = vector.broadcast %reduce_max3A_183 : i32 to vector<16xi32>
          %reduce_max3A_185 = arith.xori %all_reduce_ffs3A, %reduce_max3A_184 : vector<16xi32>
          %reduce_max3A_186 = tpu.scan <max>, %reduce_max3A_185 masked %reduce_max3A_182 : vector<16xi32>, vector<16xi1> -> vector<16xi32>
          %reduce_max3A_187 = arith.xori %reduce_max3A_186, %reduce_max3A_184 : vector<16xi32>
          %reduce_max3A_188 = vector.extract %reduce_max3A_187[15] : i32 from vector<16xi32>
          %eq3A_189 = arith.constant 0 : i32
          %eq3A_190 = arith.cmpi eq, %scan3A_161, %eq3A_189 : i32
          %reduce_sum3A = arith.constant true
          %reduce_sum3A_191 = vector.broadcast %reduce_sum3A : i1 to vector<16xi1>
          %reduce_sum3A_192 = tpu.scan <sum>, %select_n3A_174 masked %reduce_sum3A_191 : vector<16xi32>, vector<16xi1> -> vector<16xi32>
          %reduce_sum3A_193 = vector.extract %reduce_sum3A_192[15] : i32 from vector<16xi32>
          %add3A_194 = arith.addi %scan3A_159, %reduce_sum3A_193 : i32
          %ge3A = arith.cmpi sge, %add3A_194, %sub3A_132 : i32
          %and3A_195 = arith.andi %eq3A_190, %ge3A : i1
          %reduce_sum3A_196 = arith.constant true
          %reduce_sum3A_197 = vector.broadcast %reduce_sum3A_196 : i1 to vector<16xi1>
          %reduce_sum3A_198 = tpu.scan <sum>, %select_n3A_174 masked %reduce_sum3A_197 : vector<16xi32>, vector<16xi1> -> vector<16xi32>
          %reduce_sum3A_199 = vector.extract %reduce_sum3A_198[15] : i32 from vector<16xi32>
          %add3A_200 = arith.addi %scan3A_159, %reduce_sum3A_199 : i32
          %mul3A_201 = arith.constant 16 : i32
          %mul3A_202 = arith.muli %scan3A_158, %mul3A_201 : i32
          %add3A_203 = arith.addi %mul3A_202, %reduce_max3A_188 : i32
          %select_n3A_204 = arith.select %and3A_195, %add3A_203, %scan3A_160 : i32
          %jit3A_205 = arith.constant 1 : i32
          %select_n3A_206 = arith.select %and3A_195, %jit3A_205, %scan3A_161 : i32
          scf.yield %add3A_200, %select_n3A_204, %select_n3A_206 : i32, i32, i32
        }
        %scan3A_157 = arith.constant 2048 : i32
        scf.yield %scan3A_156#1 : i32
      }
      %eq3A_136 = arith.constant 0 : i32
      %eq3A_137 = vector.broadcast %eq3A_136 : i32 to vector<16xi32>
      %eq3A_138 = arith.cmpi eq, %iota3A, %eq3A_137 : vector<16xi32>
      %eq3A_139 = arith.constant 1 : i32
      %eq3A_140 = vector.broadcast %eq3A_139 : i32 to vector<16xi32>
      %eq3A_141 = arith.cmpi eq, %iota3A, %eq3A_140 : vector<16xi32>
      %jit3A_142 = arith.constant 0 : i32
      %broadcast_in_dim3A_143 = vector.broadcast %cond3A_135 : i32 to vector<16xi32>
      %broadcast_in_dim3A_144 = vector.broadcast %jit3A_142 : i32 to vector<16xi32>
      %select_n3A_145 = arith.select %eq3A_141, %broadcast_in_dim3A_143, %broadcast_in_dim3A_144 : vector<16xi1>, vector<16xi32>
      %broadcast_in_dim3A_146 = vector.broadcast %xor3A_130 : i32 to vector<16xi32>
      %select_n3A_147 = arith.select %eq3A_138, %broadcast_in_dim3A_146, %select_n3A_145 : vector<16xi1>, vector<16xi32>
      %swap3A = arith.constant 0 : index
      %swap3A_148 = tpu.vector_load %arg5[%swap3A] {strides = array<i32>} : memref<32784xi32, #tpu.memory_space<vmem>>, vector<16xi32>,
      tpu.vector_store %arg5[%swap3A], %select_n3A_147 {strides = array<i32>} : memref<32784xi32, #tpu.memory_space<vmem>>, vector<16xi32>,
      "tpu.region"() ({
        %run_scoped3A = tpu.sem_alloc : memref<!tpu.dma_semaphore, #tpu.memory_space<semaphore_mem>>
        %dma_start3A = arith.constant 0 : i32
        %dma_start3A_149 = tpu.memref_slice %arg5[%dma_start3A] : memref<32784xi32, #tpu.memory_space<vmem>> -> memref<128xi32, #tpu.memory_space<vmem>>
        %dma_start3A_150 = arith.constant 0 : i32
        %dma_start3A_151 = tpu.memref_slice %arg3[%add3A_15, %dma_start3A_150] : memref<128x128xi32, #tpu.memory_space<hbm>> -> memref<1x128xi32, #tpu.memory_space<hbm>>
        %dma_start3A_152 = tpu.memref_squeeze %dma_start3A_151 : memref<1x128xi32, #tpu.memory_space<hbm>> -> memref<128xi32, #tpu.memory_space<hbm>>
        %dma_start3A_153 = arith.constant 0 : i32
        %dma_start3A_154 = tpu.memref_slice %arg3[%add3A_15, %dma_start3A_153] : memref<128x128xi32, #tpu.memory_space<hbm>> -> memref<1x128xi32, #tpu.memory_space<hbm>>
        %dma_start3A_155 = tpu.memref_squeeze %dma_start3A_154 : memref<1x128xi32, #tpu.memory_space<hbm>> -> memref<128xi32, #tpu.memory_space<hbm>>
        %dma_start3A_156 = arith.constant 0 : i32
        %dma_start3A_157 = tpu.memref_slice %arg5[%dma_start3A_156] : memref<32784xi32, #tpu.memory_space<vmem>> -> memref<128xi32, #tpu.memory_space<vmem>>
        tpu.enqueue_dma source(%dma_start3A_157 : memref<128xi32, #tpu.memory_space<vmem>>) target(%dma_start3A_155 : memref<128xi32, #tpu.memory_space<hbm>>) target_semaphore(%run_scoped3A : memref<!tpu.dma_semaphore, #tpu.memory_space<semaphore_mem>>)
        %dma_wait3A = arith.constant 0 : i32
        %dma_wait3A_158 = tpu.memref_slice %arg5[%dma_wait3A] : memref<32784xi32, #tpu.memory_space<vmem>> -> memref<128xi32, #tpu.memory_space<vmem>>
        %dma_wait3A_159 = arith.constant 0 : i32
        %dma_wait3A_160 = tpu.memref_slice %arg3[%add3A_15, %dma_wait3A_159] : memref<128x128xi32, #tpu.memory_space<hbm>> -> memref<1x128xi32, #tpu.memory_space<hbm>>
        %dma_wait3A_161 = tpu.memref_squeeze %dma_wait3A_160 : memref<1x128xi32, #tpu.memory_space<hbm>> -> memref<128xi32, #tpu.memory_space<hbm>>
        %dma_wait3A_162 = arith.constant 0 : i32
        %dma_wait3A_163 = tpu.memref_slice %arg3[%add3A_15, %dma_wait3A_162] : memref<128x128xi32, #tpu.memory_space<hbm>> -> memref<1x128xi32, #tpu.memory_space<hbm>>
        %dma_wait3A_164 = tpu.memref_squeeze %dma_wait3A_163 : memref<1x128xi32, #tpu.memory_space<hbm>> -> memref<128xi32, #tpu.memory_space<hbm>>
        %dma_wait3A_165 = arith.constant 0 : i32
        %dma_wait3A_166 = tpu.memref_slice %arg5[%dma_wait3A_165] : memref<32784xi32, #tpu.memory_space<vmem>> -> memref<128xi32, #tpu.memory_space<vmem>>
        tpu.wait_dma2 semaphore(%run_scoped3A : memref<!tpu.dma_semaphore, #tpu.memory_space<semaphore_mem>>) src(%dma_wait3A_166 : memref<128xi32, #tpu.memory_space<vmem>>) dst(%dma_wait3A_164 : memref<128xi32, #tpu.memory_space<hbm>>)
        tpu.yield
      }) : () -> ()
    }
    %scan3A_11 = arith.constant 4 : i32
    return
  }
}

module attributes {stable_mosaic.version = 14 : i64} {
  func.func @_tc_mark_body(%arg0: i32, %arg1: memref<32x32768xi32, #tpu.memory_space<vmem>>, %arg2: memref<32x128xi32, #tpu.memory_space<vmem>>, %arg3: memref<32x32768xi8, #tpu.memory_space<vmem>>) attributes {dimension_semantics = [#tpu.dimension_semantics<arbitrary>], iteration_bounds = array<i64: 4>, scalar_prefetch = 0 : i64, scratch_operands = 0 : i64, tpu.core_type = #tpu.core_type<tc>, window_params = [{transform_indices = @transform_0, window_bounds = array<i64: 32, 32768>}, {transform_indices = @transform_1, window_bounds = array<i64: 32, 128>}, {transform_indices = @transform_2, window_bounds = array<i64: 32, 32768>}]} {
    %get3A = arith.constant 0 : index
    %get3A_0 = arith.constant 0 : index
    %get3A_1 = vector.load %arg1[%get3A, %get3A_0] : memref<32x32768xi32, #tpu.memory_space<vmem>>, vector<32x32768xi32>
    %shift_right_arithmetic3A = arith.constant 31 : i32
    %shift_right_arithmetic3A_2 = vector.broadcast %shift_right_arithmetic3A : i32 to vector<32x32768xi32>
    %shift_right_arithmetic3A_3 = arith.shrsi %get3A_1, %shift_right_arithmetic3A_2 : vector<32x32768xi32>
    %and3A = arith.constant 2147483647 : i32
    %and3A_4 = vector.broadcast %and3A : i32 to vector<32x32768xi32>
    %and3A_5 = arith.andi %shift_right_arithmetic3A_3, %and3A_4 : vector<32x32768xi32>
    %xor3A = arith.xori %get3A_1, %and3A_5 : vector<32x32768xi32>
    %get3A_6 = arith.constant 0 : index
    %get3A_7 = arith.constant 0 : index
    %get3A_8 = vector.load %arg2[%get3A_6, %get3A_7] : memref<32x128xi32, #tpu.memory_space<vmem>>, vector<32x1xi32>
    %get3A_9 = arith.constant 0 : index
    %get3A_10 = arith.constant 1 : index
    %get3A_11 = vector.load %arg2[%get3A_9, %get3A_10] : memref<32x128xi32, #tpu.memory_space<vmem>>, vector<32x1xi32>
    %iota3A = tpu.iota {dimensions = array<i32: 1>} : vector<32x32768xi32>
    %gt3A = vector.broadcast %get3A_8 : vector<32x1xi32> to vector<32x32768xi32>
    %gt3A_12 = arith.cmpi sgt, %xor3A, %gt3A : vector<32x32768xi32>
    %eq3A = vector.broadcast %get3A_8 : vector<32x1xi32> to vector<32x32768xi32>
    %eq3A_13 = arith.cmpi eq, %xor3A, %eq3A : vector<32x32768xi32>
    %le3A = vector.broadcast %get3A_11 : vector<32x1xi32> to vector<32x32768xi32>
    %le3A_14 = arith.cmpi sle, %iota3A, %le3A : vector<32x32768xi32>
    %and3A_15 = arith.andi %eq3A_13, %le3A_14 : vector<32x32768xi1>
    %or3A = arith.ori %gt3A_12, %and3A_15 : vector<32x32768xi1>
    %convert_element_type3A = arith.extui %or3A : vector<32x32768xi1> to vector<32x32768xi8>
    %swap3A = arith.constant 0 : index
    %swap3A_16 = arith.constant 0 : index
    %swap3A_17 = vector.load %arg3[%swap3A, %swap3A_16] : memref<32x32768xi8, #tpu.memory_space<vmem>>, vector<32x32768xi8>
    tpu.vector_store %arg3[%swap3A, %swap3A_16], %convert_element_type3A {strides = array<i32>} : memref<32x32768xi8, #tpu.memory_space<vmem>>, vector<32x32768xi8>,
    return
  }
  func.func @transform_0(%arg0: i32) -> (i32, i32) {
    %c0_i32 = arith.constant 0 : i32
    %c0_i32_0 = arith.constant 0 : i32
    return %arg0, %c0_i32 : i32, i32
  }
  func.func @transform_1(%arg0: i32) -> (i32, i32) {
    %c0_i32 = arith.constant 0 : i32
    %c0_i32_0 = arith.constant 0 : i32
    return %arg0, %c0_i32 : i32, i32
  }
  func.func @transform_2(%arg0: i32) -> (i32, i32) {
    %c0_i32 = arith.constant 0 : i32
    %c0_i32_0 = arith.constant 0 : i32
    return %arg0, %c0_i32 : i32, i32
  }
}

</mosaic_0001>

<sc_bundles>
// kernel: kernel.4.cloned.1.call-start
scs
__scs_entry_jumppad:
0x0: {  	(pc) =	sbr.rel $0x88, $3  }
0x1: {  	(tag) =	ssettag $0x0;
	lr =	simm.s32 $0x1  }
0x2: {  	[smem:$0x3FA0] =	sst lr;
	_ =	strace $0xD0000000  }
0x3: {  	_ = 	snop  }
0x4: {  	_ = 	snop  }
0x5: {  	_ = 	snop  }
0x6: {  	_ = 	snop  }
0x7: {  	_ = 	snop  }
__scs_overlays_trampoline_lowered:
0x8: {  	[smem:$0x3FAF] =	sst s0  }
0x9: {  	[smem:$0x3FB0] =	sst s1  }
0xa: {  	[smem:$0x3FB1] =	sst s2  }
0xb: {  	[smem:$0x3FB2] =	sst s3  }
0xc: {  	[smem:$0x3FB3] =	sst s4  }
0xd: {  	[smem:$0x3FB4] =	sst s5  }
0xe: {  	[smem:$0x3FB5] =	sst s6  }
0xf: {  	[smem:$0x3FB6] =	sst s7  }
0x10: {  	[smem:$0x3FB7] =	sst s8  }
0x11: {  	[smem:$0x3FB8] =	sst s9;
	s0 =	simm.s32 @!p0 $0x0  }
0x12: {  	s1 =	sld [smem:$0x3F9E];
	s0 =	simm.s32 @p0 $0x1  }
0x13: {  	[smem:$0x3FB9] =	sst s0;
	s0 =	simm.s32 @!p1 $0x0  }
0x14: {  	s2 =	sld [smem:$0x3F9D];
	s0 =	simm.s32 @p1 $0x1  }
0x15: {  	[smem:$0x3FBA] =	sst s0;
	s0 =	simm.s32 @!p2 $0x0  }
0x16: {  	s3 =	sld [smem:$0x3FDB];
	s0 =	simm.s32 @p2 $0x1  }
0x17: {  	s4 =	simm.s32 $0x1BF5;
	[smem:$0x3FBC] =	sst s0  }
0x18: {  	s0 =	sld [smem:$0x3F9F];
	_ =	swait.ge [sflag:s4], $0x0  }
0x19: {  	s7 =	sld [smem:$0x3FA0]  }
0x1a: {  	s8 =	sadd.s32 $0xFFFFE003, lr  }
0x1b: {  	s9 =	sadd.s32 $0xFFFFFEF7, lr;
	s5 =	simm.s32 $0xFFFFFFFF;
	p2 =	slt.u32 s8, $0xFFFFF086  }
0x1c: {  	p1 =	slt.u32 s9, $0xF7A;
	s5 =	simm.s32 @!p2 $0x0  }
0x1d: {  	s5 =	simm.s32 @p1 $0x1;
	p0 =	seq.s32 s7, s2  }
0x1e: {  	s7 =	smul.u32 @!p0 $0xF7A, s2;
	p2 =	seq.s32 @!p0 s5, $0x0  }
0x1f: {  	s9 =	smul.u32 $0xF7A, s1;
	s8 =	simm.s32 @!p0 $0x1BF5;
	p2 =	por !p2, p0  }
0x20: {  	[sflag:s8] =	ssyncset.s32 @!p0 $0xFFFFF086;
	s6 =	sadd.s32 @!p0 s3, s7;
	s7 =	simm.s32 @!p0 $0x108  }
0x21: {  	s3 =	sadd.s32 s3, s9;
	s6 =	sadd.s32 @!p0 $0x88, s6;
	s7 =	simm.s32 @p2 $0x1082  }
0x22: {  	[simem:s7], [sflag:s8] =	dma.local @!p0 [hbm:s6], $0xF7A  }
0x23: {  	s9 =	sor.u32 $0xD0000000, s2;
	s6 =	simm.s32 $0x108;
	_ =	swait.ge @!p0 [sflag:s8], $0x0  }
0x24: {  	s3 =	sadd.s32 $0x88, s3;
	s6 =	simm.s32 @!p1 $0x1082;
	[sflag:s4] =	ssyncset.s32 $0xFFFFF086  }
0x25: {  	[simem:s6], [sflag:s4] =	dma.local [hbm:s3], $0xF7A  }
0x26: {  	[smem:$0x3FA0] =	sst s1;
	(tag) =	ssettag s2;
	_ =	strace s9  }
0x27: {  	s1 =	sld [smem:$0x3FB0]  }
0x28: {  	s2 =	sld [smem:$0x3FB1]  }
0x29: {  	s4 =	sld [smem:$0x3FB3]  }
0x2a: {  	p0 =	seq.s32 s5, $0x0;
	s5 =	sld [smem:$0x3FB4]  }
0x2b: {  	s6 =	sld [smem:$0x3FB5]  }
0x2c: {  	s7 =	sld [smem:$0x3FB6]  }
0x2d: {  	s3 =	simm.s32 $0x108;
	s8 =	sld [smem:$0x3FB7]  }
0x2e: {  	s3 =	simm.s32 @!p0 $0x1082;
	s9 =	sld [smem:$0x3FB8]  }
0x2f: {  	lr =	sadd.s32 s0, s3;
	s0 =	sld [smem:$0x3FAF]  }
0x30: {  	s3 =	sld [smem:$0x3FB2]  }
0x31: {  	[smem:$0x3FBB] =	sst s10  }
0x32: {  	s10 =	sld [smem:$0x3FB9];
	_ =	sdelay $0x3  }
0x33: {  	p0 =	seq.s32 s10, $0x1;
	s10 =	sld [smem:$0x3FBB];
	_ =	sdelay $0x3  }
0x34: {  	[smem:$0x3FBB] =	sst s10  }
0x35: {  	s10 =	sld [smem:$0x3FBA];
	_ =	sdelay $0x3  }
0x36: {  	p1 =	seq.s32 s10, $0x1;
	s10 =	sld [smem:$0x3FBB];
	_ =	sdelay $0x3  }
0x37: {  	[smem:$0x3FBB] =	sst s10  }
0x38: {  	s10 =	sld [smem:$0x3FBC]  }
0x39: {  	_ = 	snop;
	(pc) =	sbr.ind lr, $3  }
0x3a: {  	_ = 	snop  }
0x3b: {  	_ = 	snop  }
0x3c: {  	p2 =	seq.s32 s10, $0x1;
	s10 =	sld [smem:$0x3FBB]  }
0x3d: {  	_ =	shalt  }
0x3e: {  	_ =	shalt  }
0x3f: {  	_ =	shalt  }
0x40: {  	_ =	shalt  }
0x41: {  	_ =	shalt  }
0x42: {  	_ =	shalt  }
0x43: {  	_ =	shalt  }
0x44: {  	_ =	shalt  }
0x45: {  	_ =	shalt  }
0x46: {  	_ =	shalt  }
0x47: {  	_ =	shalt  }
0x48: {  	_ =	shalt  }
0x49: {  	_ =	shalt  }
0x4a: {  	_ =	shalt  }
0x4b: {  	_ =	shalt  }
0x4c: {  	_ =	shalt  }
0x4d: {  	_ =	shalt  }
0x4e: {  	_ =	shalt  }
0x4f: {  	_ =	shalt  }
0x50: {  	_ =	shalt  }
0x51: {  	_ =	shalt  }
0x52: {  	_ =	shalt  }
0x53: {  	_ =	shalt  }
0x54: {  	_ =	shalt  }
0x55: {  	_ =	shalt  }
0x56: {  	_ =	shalt  }
0x57: {  	_ =	shalt  }
0x58: {  	_ =	shalt  }
0x59: {  	_ =	shalt  }
0x5a: {  	_ =	shalt  }
0x5b: {  	_ =	shalt  }
0x5c: {  	_ =	shalt  }
0x5d: {  	_ =	shalt  }
0x5e: {  	_ =	shalt  }
0x5f: {  	_ =	shalt  }
0x60: {  	_ =	shalt  }
0x61: {  	_ =	shalt  }
0x62: {  	_ =	shalt  }
0x63: {  	_ =	shalt  }
0x64: {  	_ =	shalt  }
0x65: {  	_ =	shalt  }
0x66: {  	_ =	shalt  }
0x67: {  	_ =	shalt  }
0x68: {  	_ =	shalt  }
0x69: {  	_ =	shalt  }
0x6a: {  	_ =	shalt  }
0x6b: {  	_ =	shalt  }
0x6c: {  	_ =	shalt  }
0x6d: {  	_ =	shalt  }
0x6e: {  	_ =	shalt  }
0x6f: {  	_ =	shalt  }
0x70: {  	_ =	shalt  }
0x71: {  	_ =	shalt  }
0x72: {  	_ =	shalt  }
0x73: {  	_ =	shalt  }
0x74: {  	_ =	shalt  }
0x75: {  	_ =	shalt  }
0x76: {  	_ =	shalt  }
0x77: {  	_ =	shalt  }
0x78: {  	_ =	shalt  }
0x79: {  	_ =	shalt  }
0x7a: {  	_ =	shalt  }
0x7b: {  	_ =	shalt  }
0x7c: {  	_ =	shalt  }
0x7d: {  	_ =	shalt  }
0x7e: {  	_ =	shalt  }
0x7f: {  	_ =	shalt  }
0x80: {  	_ =	shalt  }
0x81: {  	_ =	shalt  }
0x82: {  	_ =	shalt  }
0x83: {  	_ =	shalt  }
0x84: {  	_ =	shalt  }
0x85: {  	_ =	shalt  }
0x86: {  	_ =	shalt  }
0x87: {  	_ =	shalt  }
.Lfunc_end0:
.L_simem_size_0:
called_computation_lowered:
.L_overlay_start_0:
0x88: {  	s2 =	sld [smem:$0x3FD9]  }
0x89: {  	s3 =	sld [smem:$0x3FFE];
	_ =	sdelay $0x1  }
0x8a: {  	s1 =	srdreg.scid  }
0x8b: {  	s0 =	sand.u32 $0x1, s1  }
0x8c: {  	s17 =	sshll.u32 s0, $0xA;
	s2 =	sadd.s32 s3, s2  }
0x8d: {  	s2 =	sadd.s32 s2, s17  }
0x8e: {  	[smem:$0x3FC7] =	sst s2  }
0x8f: {  	_ = 	snop  }
0x90: {  	s2 =	sld [smem:$0x3FD0];
	(tm) =	ssettm $0x1  }
0x91: {  	s18 =	sld [smem:$0x3FFB];
	_ =	sdelay $0x3  }
0x92: {  	_ =	strace s18  }
0x93: {  	s3 =	sld [smem:$0x3FFC];
	_ =	sdelay $0x3  }
0x94: {  	_ =	strace s3  }
0x95: {  	s3 =	sld [smem:$0x3FFD];
	_ =	sdelay $0x3  }
0x96: {  	_ =	strace s3  }
0x97: {  	_ =	strace $0x8FFFFFFF  }
0x98: {  	s19 =	sld [smem:$0x3FDB];
	_ =	sdelay $0x1  }
0x99: {  	s4 =	simm.s32 $_scs_section_size  }
0x9a: {  	s5 =	simm.s32 $_size__tile_overlayer_lowered;
	s6 =	simm.s32 $_tile_overlayer_lowered  }
0x9b: {  	s22 =	simm.s32 $0x1BFF;
	s21 =	sshll.u32 s6, $0x1;
	s3 =	sadd.s32 s4, s19  }
0x9c: {  	s7 =	simm.s32 $0x0;
	s20 =	sshll.u32 s5, $0x1;
	s5 =	sadd.s32 s21, s3  }
0x9d: {  	[timem:s7], [sflag:s22] =	dma.local [hbm:s5], s20  }
0x9e: {  	_ =	swait.ge [sflag:s22], s20  }
0x9f: {  	s4 =	ssub.s32 $0x0, s20;
	[sflag:s22] =	ssyncset.done $0x0  }
0xa0: {  	[sflag:s22] =	ssyncadd.s32 s4;
	_ =	sdelay $0x1  }
0xa1: {  	s23 =	simm.s32 $0x1B8B  }
0xa2: {  	_ =	swait.ge [sflag:s23], $0x1  }
0xa3: {  	[sflag:s23] =	ssyncset.done $0x0  }
0xa4: {  	s25 =	simm.s32 $0x1B8E;
	s24 =	sld [smem:$0x3FFE];
	[sflag:s23] =	ssyncadd.s32 $0xFFFFFFFF  }
0xa5: {  	s26 =	simm.s32 $execute0_lowered;
	[smem:$0x3FD2] =	sst s25  }
0xa6: {  	s5 =	sshll.u32 s26, $0x1;
	_ =	strace $0x80000046;
	[dreg:$0x1] =	wrdreg $0xFFFFFFFF  }
0xa7: {  	s28 =	simm.s32 $_size_execute0_lowered;
	s3 =	sadd.s32 s3, s5;
	[dreg:$0x0] =	wrdreg $0x0  }
0xa8: {  	s5 =	sshll.u32 s28, $0x1;
	[dreg:$0x2] =	wrdreg s3  }
0xa9: {  	[dreg:$0x3] =	wrdreg s5  }
0xaa: {  	[dreg:$0x4] =	wrdreg $0xC0  }
0xab: {  	_ =	task [dreg:s7], $0x5FFFF  }
0xac: {  	[dreg:$0x1] =	wrdreg $0xFFFFFFFF  }
0xad: {  	[dreg:$0x0] =	wrdreg $0x60  }
0xae: {  	[dreg:$0x2] =	wrdreg s24  }
0xaf: {  	[dreg:$0x3] =	wrdreg s2  }
0xb0: {  	[dreg:$0x4] =	wrdreg $0x9  }
0xb1: {  	_ =	task.clear_ibuf [dreg:s7], $0x5FFFF;
	_ =	strace $0x90000046  }
0xb2: {  	s29 =	simm.s32 $0x9;
	_ =	strace $0x80000048  }
0xb3: {  	_ =	swait.ge [sflag:s29], $0x1  }
0xb4: {  	[sflag:s29] =	ssyncadd.s32 $0xFFFFFFFF  }
0xb5: {  	_ =	strace $0x90000048  }
0xb6: {  	_ =	sfence  }
0xb7: {  	s30 =	sld [smem:$0x0];
	_ =	sdelay $0x2  }
0xb8: {  	s31 =	sshll.u32 s1, $0xD;
	s1 =	sshrl.u32 s1, $0x2  }
0xb9: {  	s3 =	sand.u32 $0x4000, s31;
	s1 =	sadd.s32 s1, s30  }
0xba: {  	s0 =	sor.u32 s3, s0;
	s1 =	sshll.u32 s1, $0x11  }
0xbb: {  	s0 =	sor.u32 s1, s0  }
0xbc: {  	s0 =	sadd.s32 $0x8F2B, s0  }
0xbd: {  	[sflag:s0] =	ssyncadd.remote.s32 $0x1  }
0xbe: {  	_ =	sfence.sel $0xFFFF  }
0xbf: {  	[dreg:$0x0] =	wrdreg $0xFFFFFFFF;
	(pc) =	sbr.abs _section_cstart, $3  }
0xc0: {  	[dreg:$0x1] =	wrdreg $0xFFFFFFFF  }
0xc1: {  	_ =	task.clear_ibuf [dreg:s7], $0x2FFFF;
	_ =	strace $0x9FFFFFFF  }
0xc2: {  	(tm) =	ssettm $0x7FFFFFFF  }
0xc3: {  	_ =	shalt  }
tec
execute0_lowered:
.L_overlay_start_1:
0x0: {  	(tag) =	ssettag $0x1  }
0x1: {  	s0 =	rddreg [dreg:$0x0]  }
0x2: {  	s1 =	rddreg [dreg:$0x1];
	s3 =	srdreg.scid  }
0x3: {  	s2 =	simm.s32 $0x0;
	s7 =	stileid.u32;
	s9 =	simm.s32 $0x80  }
0x4: {  	s10 =	simm.s32 $0x400;
	s11 =	simm.s32 $0x1;
	s3 =	sand.u32 $0x1, s3  }
.Ltmp0:
0x5: {  	s12 =	simm.s32 $0x10080;
	s5 =	ssub.s32 $0x2, s3;
	(pc) =	sbr.rel .LBB2_1-.Ltmp0, $4  }
0x6: {  	v0 =	vlaneseq.u32;
	s13 =	simm.s32 $0x8000;
	[smem:$0x7FF] =	sst s2;
	s31 =	sshrl.u32 s5, $0x1  }
0x7: {  	s4 =	sadd.s32 $0x800, s0;
	s6 =	sshll.u32 s7, $0x12;
	v4 =	vmul.u32 $0xFFFFFFFF, v0;
	s0 =	ssub.s32 s5, s31  }
0x8: {  	v1 =	vimm.s32 $0x0;
	v3 =	vimm.s32 $0x1;
	vm0 =	vcmask $0x300;
	s7 =	sshll.u32 s7, $0xA;
	_ =	strace $0x80000047;
	s0 =	smax.u32 s0, $0x1  }
0x9: {  	vm1 =	vcmask $0x704;
	v2 =	vmul.u32 $0x100, v0;
	v4 =	vadd.s32 $0xF, v4;
	s5 =	sshll.u32 s3, $0x9;
	s3 =	simm.s32 $0x0;
	[dreg:$0x3] =	wrdreg s0  }
.LBB2_60:
0xa: {  	s3 =	rddreg [dreg:$0x4]  }
0xb: {  	s0 =	rddreg [dreg:$0x3];
	s3 =	sadd.s32 $0x1, s3  }
0xc: {  	p0 =	sne.s32 s3, s0  }
.Ltmp1:
0xd: {  	_ = 	snop;
	(pc) =	sbr.rel @!p0 .LBB2_61-.Ltmp1, $1  }
0xe: {  	_ =	sdelay $0x3  }
.LBB2_1:
.Ltmp2:
0xf: {  	(pc) =	sbr.rel .LBB2_2-.Ltmp2, $2  }
0x10: {  	_ =	sdelay $0x2  }
0x11: {  	[dreg:$0x4] =	wrdreg s3;
	s15 =	simm.s32 $0x0  }
.LBB2_59:
0x12: {  	v5 =	vmov s17  }
0x13: {  	s0 =	sadd.s32 s7, s16;
	s15 =	sadd.s32 $0x1, s15;
	v5 =	vnsel vm0, $0x0, v5  }
0x14: {  	s0 =	sshrl.u32 s0, $0x3;
	p0 =	sne.s32 s15, $0x4;
	v5 =	vsel vm1, s20, v5  }
.Ltmp3:
0x15: {  	s0 =	sadd.s32 s1, s0;
	[tilespmem:$0x8000] =	vst v5;
	(pc) =	sbr.rel @!p0 .LBB2_60-.Ltmp3, $4  }
0x16: {  	[hbm4b:s0+s2] =	stream.linear.scatter [tilespmem:s13], [sflag:$0x1], $0x80, $0x38;
	[tilespmem:$0x11080] =	vst v63  }
0x17: {  	_ =	swait.ge [sflag:s11], $0x80  }
0x18: {  	[sflag:s11] =	ssyncset.done $0x0  }
0x19: {  	[sflag:s11] =	ssyncadd.s32 $0xFFFFFF80  }
.LBB2_2:
0x1a: {  	s0 =	sshll.u32 s15, $0x7  }
0x1b: {  	s16 =	sadd.s32 s5, s0  }
0x1c: {  	s0 =	sadd.s32 s6, s16  }
0x1d: {  	s0 =	sshrl.u32 s0, $0x3  }
0x1e: {  	s0 =	sadd.s32 s4, s0  }
0x1f: {  	[tilespmem:s2], [sflag:$0x1] =	stream.strided.gather [hbm4b:s0+s9], $0x8000, s10, s9, $0x38;
	[tilespmem:$0x11080] =	vst v63  }
0x20: {  	_ =	swait.ge [sflag:s11], $0x8000  }
0x21: {  	[sflag:s11] =	ssyncset.done $0x0  }
0x22: {  	s0 =	simm.s32 $0x100C0;
	[sflag:s11] =	ssyncadd.s32 $0xFFFF8000  }
0x23: {  	[tilespmem:s0+$0xFFFFFFC0] =	vst v1  }
0x24: {  	[tilespmem:s0+$0x30] =	vst v1  }
0x25: {  	[tilespmem:s0+$0x20] =	vst v1  }
0x26: {  	[tilespmem:s0+$0x10] =	vst v1  }
0x27: {  	[tilespmem:s0+$0x0] =	vst v1  }
0x28: {  	[tilespmem:s0+$0xFFFFFFF0] =	vst v1  }
0x29: {  	s3 =	simm.s32 $0x0;
	s18 =	simm.s32 $0x20;
	[tilespmem:s0+$0xFFFFFFE0] =	vst v1  }
.LBB2_3:
0x2a: {  	s3 =	sadd.s32 $0x8, s3;
	[tilespmem:s0+$0xFFFFFFD0] =	vst v1;
	s0 =	sadd.s32 $0x80, s0  }
0x2b: {  	[tilespmem:s0+$0xFFFFFFC0] =	vst v1;
	p0 =	slt.u32 s3, $0xF8  }
0x2c: {  	[tilespmem:s0+$0x30] =	vst v1  }
.Ltmp4:
0x2d: {  	[tilespmem:s0+$0x20] =	vst v1;
	(pc) =	sbr.rel @p0 .LBB2_3-.Ltmp4, $4  }
0x2e: {  	[tilespmem:s0+$0x10] =	vst v1  }
0x2f: {  	[tilespmem:s0+$0x0] =	vst v1  }
0x30: {  	[tilespmem:s0+$0xFFFFFFF0] =	vst v1  }
0x31: {  	[tilespmem:s0+$0xFFFFFFE0] =	vst v1  }
0x32: {  	[tilespmem:s0+$0xFFFFFFD0] =	vst v1  }
0x33: {  	v5 =	vld [tilespmem:s18+$0x10]  }
0x34: {  	v6 =	vld [tilespmem:s18+$0xFFFFFFF0]  }
0x35: {  	v7 =	vld [tilespmem:s18+$0x0]  }
0x36: {  	v8 =	vld [tilespmem:s18+$0xFFFFFFE0];
	_ =	sdelay $0x2  }
0x37: {  	v9 =	vshra.s32 v5, $0x1F;
	v10 =	vshra.s32 v6, $0x1F  }
0x38: {  	v11 =	vshra.s32 v7, $0x1F;
	v9 =	vor.u32 $0x80000000, v9;
	v10 =	vor.u32 $0x80000000, v10  }
0x39: {  	v11 =	vor.u32 $0x80000000, v11;
	v9 =	vxor.u32 v5, v9;
	v5 =	vshra.s32 v8, $0x1F  }
0x3a: {  	v6 =	vxor.u32 v6, v10;
	v11 =	vxor.u32 v7, v11;
	v12 =	vshrl.u32 v9, $0x18  }
0x3b: {  	s17 =	simm.s32 $0x60;
	v5 =	vor.u32 $0x80000000, v5;
	v15 =	vshrl.u32 v6, $0x18;
	v16 =	vshrl.u32 v11, $0x18  }
0x3c: {  	v10 =	vand.u32 $0x80, v12;
	v5 =	vxor.u32 v8, v5;
	v8 =	vand.u32 $0x7F, v12;
	v12 =	vld [tilespmem:s17+$0x10]  }
0x3d: {  	v14 =	vld [tilespmem:s17+$0xFFFFFFF0];
	v17 =	vand.u32 $0x80, v15;
	v18 =	vand.u32 $0x80, v16;
	v15 =	vand.u32 $0x7F, v15  }
0x3e: {  	v7 =	vld [tilespmem:s17+$0x0];
	v16 =	vand.u32 $0x7F, v16;
	v10 =	vor.u32 v2, v10;
	v13 =	vshrl.u32 v5, $0x18  }
0x3f: {  	v19 =	vld [tilespmem:s17+$0xFFFFFFE0];
	[tilespmem:s18+$0xFFFFFFF0] =	vst v6;
	v6 =	vor.u32 v2, v17;
	v10 =	vor.u32 v8, v10;
	v8 =	vand.u32 $0x80, v13  }
0x40: {  	[tilespmem:s18+$0xFFFFFFE0] =	vst v5;
	v13 =	vand.u32 $0x7F, v13;
	v5 =	vor.u32 v15, v6;
	v8 =	vor.u32 v2, v8  }
0x41: {  	v13 =	vor.u32 v13, v8;
	v8 =	vor.u32 v2, v18;
	v15 =	vshra.s32 v12, $0x1F  }
0x42: {  	[tilespmem:s18+$0x0] =	vst v11;
	v6 =	vor.u32 v16, v8;
	v8 =	vshra.s32 v14, $0x1F;
	v11 =	vor.u32 $0x80000000, v15  }
0x43: {  	[tilespmem:s18+$0x10] =	vst v9;
	v9 =	vor.u32 $0x80000000, v8;
	v15 =	vshra.s32 v7, $0x1F;
	v8 =	vxor.u32 v12, v11  }
0x44: {  	[tilespmem:v10+s12+$0x0] =	vst.idx.add.s32.msk $0xffff, v3;
	v11 =	vshra.s32 v19, $0x1F;
	v9 =	vxor.u32 v14, v9;
	v12 =	vshrl.u32 v8, $0x18  }
0x45: {  	v10 =	vor.u32 $0x80000000, v15;
	v11 =	vor.u32 $0x80000000, v11;
	[tilespmem:s17+$0xFFFFFFF0] =	vst v9;
	v14 =	vand.u32 $0x80, v12  }
0x46: {  	s0 =	simm.s32 $0xA0;
	s18 =	simm.s32 $0x4;
	[tilespmem:v13+s12+$0x0] =	vst.idx.add.s32.msk $0xffff, v3;
	v11 =	vxor.u32 v19, v11;
	v12 =	vand.u32 $0x7F, v12;
	v13 =	vor.u32 v2, v14  }
.LBB2_5:
0x47: {  	v14 =	vld [tilespmem:s0+$0x10];
	s18 =	sadd.s32 $0x4, s18;
	[tilespmem:s17+$0xFFFFFFE0] =	vst v11;
	v11 =	vshrl.u32 v11, $0x18;
	v7 =	vxor.u32 v7, v10;
	v10 =	vor.u32 v12, v13  }
0x48: {  	v9 =	vshrl.u32 v9, $0x18;
	v12 =	vld [tilespmem:s0+$0xFFFFFFF0];
	p0 =	slt.u32 s18, $0x7FC;
	v13 =	vand.u32 $0x80, v11;
	[tilespmem:s17+$0x0] =	vst v7;
	v15 =	vshrl.u32 v7, $0x18  }
0x49: {  	v16 =	vand.u32 $0x80, v9;
	v7 =	vld [tilespmem:s0+$0x0];
	v13 =	vor.u32 v2, v13;
	v17 =	vand.u32 $0x80, v15  }
0x4a: {  	v11 =	vand.u32 $0x7F, v11;
	v16 =	vor.u32 v2, v16;
	v18 =	vld [tilespmem:s0+$0xFFFFFFE0];
	v17 =	vor.u32 v2, v17  }
0x4b: {  	v9 =	vand.u32 $0x7F, v9;
	v11 =	vor.u32 v11, v13;
	v13 =	vand.u32 $0x7F, v15;
	[tilespmem:s17+$0x10] =	vst v8;
	s17 =	smov.u32 s0  }
0x4c: {  	v9 =	vor.u32 v9, v16;
	v13 =	vor.u32 v13, v17;
	v8 =	vshra.s32 v14, $0x1F;
	[tilespmem:v10+s12+$0x0] =	vst.idx.add.s32.msk $0xffff, v3  }
.Ltmp5:
0x4d: {  	v10 =	vshra.s32 v12, $0x1F;
	v8 =	vor.u32 $0x80000000, v8;
	[tilespmem:v5+s12+$0x0] =	vst.idx.add.s32.msk $0xffff, v3;
	v5 =	vmov v9;
	(pc) =	sbr.rel @p0 .LBB2_5-.Ltmp5, $4  }
0x4e: {  	v9 =	vor.u32 $0x80000000, v10;
	v10 =	vshra.s32 v7, $0x1F;
	v8 =	vxor.u32 v14, v8;
	[tilespmem:v6+s12+$0x0] =	vst.idx.add.s32.msk $0xffff, v3;
	v6 =	vmovc v13  }
0x4f: {  	v13 =	vshra.s32 v18, $0x1F;
	v10 =	vor.u32 $0x80000000, v10;
	v14 =	vshrl.u32 v8, $0x18  }
0x50: {  	v9 =	vxor.u32 v12, v9;
	v13 =	vor.u32 $0x80000000, v13;
	v15 =	vand.u32 $0x80, v14;
	[tilespmem:v11+s12+$0x0] =	vst.idx.add.s32.msk $0xffff, v3  }
0x51: {  	s0 =	sadd.s32 $0x40, s0;
	v12 =	vand.u32 $0x7F, v14;
	v11 =	vxor.u32 v18, v13;
	[tilespmem:s17+$0xFFFFFFF0] =	vst v9;
	v13 =	vor.u32 v2, v15  }
0x52: {  	v14 =	vshrl.u32 v11, $0x18  }
0x53: {  	v7 =	vxor.u32 v7, v10;
	v10 =	vor.u32 v12, v13;
	v9 =	vshrl.u32 v9, $0x18  }
0x54: {  	[tilespmem:s17+$0xFFFFFFE0] =	vst v11;
	v61 =	vand.u32 $0x80, v14;
	v62 =	vshrl.u32 v7, $0x18;
	v11 =	vand.u32 $0x80, v9  }
0x55: {  	v14 =	vand.u32 $0x7F, v14;
	v9 =	vand.u32 $0x7F, v9;
	v12 =	vor.u32 v2, v61  }
0x56: {  	[tilespmem:s17+$0x0] =	vst v7;
	v15 =	vand.u32 $0x80, v62;
	v7 =	vor.u32 v2, v11;
	v11 =	vor.u32 v14, v12  }
0x57: {  	[tilespmem:s17+$0x10] =	vst v8;
	v13 =	vand.u32 $0x7F, v62;
	v63 =	vor.u32 v2, v15;
	v7 =	vor.u32 v9, v7  }
0x58: {  	[tilespmem:v5+s12+$0x0] =	vst.idx.add.s32.msk $0xffff, v3;
	v8 =	vor.u32 v13, v63  }
0x59: {  	[tilespmem:v6+s12+$0x0] =	vst.idx.add.s32.msk $0xffff, v3  }
0x5a: {  	p1 =	por $0x0, $0x0;
	[tilespmem:v10+s12+$0x0] =	vst.idx.add.s32.msk $0xffff, v3  }
.Ltmp6:
0x5b: {  	[tilespmem:v11+s12+$0x0] =	vst.idx.add.s32.msk $0xffff, v3;
	(pc) =	sbr.rel @p1 .LBB2_7-.Ltmp6, $4  }
0x5c: {  	[tilespmem:v7+s12+$0x0] =	vst.idx.add.s32.msk $0xffff, v3  }
0x5d: {  	s17 =	simm.s32 $0x10970;
	[tilespmem:v8+s12+$0x0] =	vst.idx.add.s32.msk $0xffff, v3  }
0x5e: {  	s18 =	simm.s32 $0x0;
	v8 =	vld [tilespmem:s17+$0xFFFFF800]  }
0x5f: {  	s25 =	simm.s32 $0x800000FF;
	s24 =	simm.s32 $0x800000EF;
	p0 =	por $0x0, $0x0;
	v9 =	vld [tilespmem:s17+$0xFFFFF900]  }
0x60: {  	v5 =	vld [tilespmem:s17+$0xFFFFFA00]  }
0x61: {  	v6 =	vld [tilespmem:s17+$0xFFFFFB00]  }
0x62: {  	v7 =	vld [tilespmem:s17+$0xFFFFFC00]  }
0x63: {  	v10 =	vld [tilespmem:s17+$0xFFFFFD00]  }
0x64: {  	v8 =	vadd.s32 v8, v9;
	v9 =	vld [tilespmem:s17+$0xFFFFFE00]  }
0x65: {  	v5 =	vadd.s32 v5, v8;
	v8 =	vld [tilespmem:s17+$0xFFFFFF00]  }
0x66: {  	v5 =	vadd.s32 v6, v5;
	v6 =	vld [tilespmem:s17+$0x0]  }
0x67: {  	v5 =	vadd.s32 v7, v5;
	v7 =	vld [tilespmem:s17+$0x100]  }
0x68: {  	v5 =	vadd.s32 v10, v5;
	v10 =	vld [tilespmem:s17+$0x200]  }
0x69: {  	v5 =	vadd.s32 v9, v5;
	v9 =	vld [tilespmem:s17+$0x300]  }
0x6a: {  	v5 =	vadd.s32 v8, v5;
	v8 =	vld [tilespmem:s17+$0x400]  }
0x6b: {  	v5 =	vadd.s32 v6, v5;
	v6 =	vld [tilespmem:s17+$0x500]  }
0x6c: {  	v5 =	vadd.s32 v7, v5;
	v7 =	vld [tilespmem:s17+$0x600]  }
0x6d: {  	v5 =	vadd.s32 v10, v5;
	v10 =	vld [tilespmem:s17+$0x700]  }
0x6e: {  	v5 =	vadd.s32 v9, v5  }
0x6f: {  	v5 =	vadd.s32 v8, v5  }
0x70: {  	v5 =	vadd.s32 v6, v5  }
0x71: {  	v5 =	vadd.s32 v7, v5  }
0x72: {  	v6 =	vadd.s32 v10, v5  }
0x73: {  	v5 =	vperm.xlane v6, v4;
	_ =	sdelay $0x1  }
0x74: {  	(xrf0) =	vadd.scan.msk.s32 $0xffff, v5;
	_ =	sdelay $0x5  }
0x75: {  	v7, _, _ =	vpop (xrf0)  }
0x76: {  	v8 =	vadd.s32 s18, v7  }
0x77: {  	vm2 =	vgt.s32 v8, $0x3F  }
0x78: {  	v8 =	vmctz.xlane vm2;
	_ =	sdelay $0x1  }
0x79: {  	v8 =	vxor.u32 $0x80000000, v8  }
0x7a: {  	(xrf0) =	vmax.scan.msk.u32 $0xffff, v8;
	_ =	sdelay $0x5  }
0x7b: {  	v8, _, _ =	vpop (xrf0)  }
0x7c: {  	(v2sf) =	vpush v8, $0xF;
	_ =	sdelay $0xc  }
0x7d: {  	p1 =	por $0x0, $0x0  }
.Ltmp7:
0x7e: {  	_ = 	snop;
	(pc) =	sbr.rel @p1 .LBB2_9-.Ltmp7, $4  }
0x7f: {  	s0 =	spop (v2sf)  }
0x80: {  	s25 =	simm.s32 $0x800000DF;
	s17 =	simm.s32 $0x10960;
	s3 =	sxor.u32 $0x80000000, s0  }
0x81: {  	p0 =	por $0x1, $0x1;
	s23 =	simm.s32 $0x0;
	s19 =	simm.s32 $0x0;
	v9 =	vld [tilespmem:s17+$0xFFFFF900];
	v10 =	vmov s3  }
0x82: {  	s20 =	simm.s32 $0x0;
	s21 =	simm.s32 $0x0;
	v8 =	vld [tilespmem:s17+$0xFFFFF800];
	s22 =	ssub.s32 $0x800000FF, s0;
	vm2 =	veq.s32 v10, v0  }
.LBB2_10:
0x83: {  	p1 =	seq.s32 s25, $0x8000000F;
	v10 =	vld [tilespmem:s17+$0xFFFFFA00];
	v7 =	vnsel vm2, $0x0, v7;
	(xrf0) =	vadd.scan.msk.s32 $0xffff, v6  }
0x84: {  	v5 =	vnsel vm2, $0x0, v5;
	v6 =	vld [tilespmem:s17+$0xFFFFFB00];
	(xrf0) =	vadd.scan.msk.s32 $0xffff, v7  }
0x85: {  	v7 =	vld [tilespmem:s17+$0xFFFFFC00];
	(xrf0) =	vadd.scan.msk.s32 $0xffff, v5  }
0x86: {  	v5 =	vld [tilespmem:s17+$0xFFFFFD00]  }
0x87: {  	v8 =	vadd.s32 v8, v9;
	v9 =	vld [tilespmem:s17+$0xFFFFFE00]  }
0x88: {  	v8 =	vadd.s32 v10, v8;
	v10 =	vld [tilespmem:s17+$0xFFFFFF00]  }
0x89: {  	v6 =	vadd.s32 v6, v8;
	v8 =	vld [tilespmem:s17+$0x0];
	v11, _, _ =	vpop (xrf0)  }
0x8a: {  	v6 =	vadd.s32 v7, v6;
	v7 =	vld [tilespmem:s17+$0x100];
	(v2sf) =	vpush v11, $0xF;
	v11, _, _ =	vpop (xrf0)  }
0x8b: {  	v5 =	vadd.s32 v5, v6;
	v6 =	vld [tilespmem:s17+$0x200];
	v12, _, _ =	vpop (xrf0);
	(v2sf) =	vpush v11, $0xF  }
0x8c: {  	v5 =	vadd.s32 v9, v5;
	v9 =	vld [tilespmem:s17+$0x300];
	(v2sf) =	vpush v12, $0xF  }
0x8d: {  	v5 =	vadd.s32 v10, v5;
	v10 =	vld [tilespmem:s17+$0x400]  }
0x8e: {  	v5 =	vadd.s32 v8, v5;
	v8 =	vld [tilespmem:s17+$0x500]  }
0x8f: {  	v5 =	vadd.s32 v7, v5;
	v7 =	vld [tilespmem:s17+$0x600]  }
0x90: {  	v5 =	vadd.s32 v6, v5;
	v6 =	vld [tilespmem:s17+$0x700]  }
0x91: {  	v5 =	vadd.s32 v9, v5  }
0x92: {  	v5 =	vadd.s32 v10, v5  }
0x93: {  	v5 =	vadd.s32 v8, v5  }
0x94: {  	v5 =	vadd.s32 v7, v5  }
0x95: {  	v6 =	vadd.s32 v6, v5  }
0x96: {  	v5 =	vperm.xlane v6, v4;
	_ =	sdelay $0x1  }
0x97: {  	(xrf0) =	vadd.scan.msk.s32 $0xffff, v5  }
0x98: {  	s0 =	spop (v2sf)  }
0x99: {  	s3 =	spop (v2sf)  }
0x9a: {  	s0 =	sadd.s32 s23, s0;
	s3 =	sadd.s32 s23, s3;
	s8 =	spop (v2sf)  }
0x9b: {  	p2 =	sgt.s32 s0, $0x3F;
	s3 =	ssub.s32 s3, s8  }
0x9c: {  	p3 =	seq.s32 s19, $0x0;
	s0 =	smov.u32 @p2 s3  }
0x9d: {  	p2 =	por !p3, !p2;
	v7, _, _ =	vpop (xrf0);
	s23 =	smov.u32 @p3 s0  }
0x9e: {  	p2 =	por !p2, !p2;
	v8 =	vadd.s32 s23, v7  }
0x9f: {  	s19 =	simm.s32 @p2 $0x1;
	s20 =	smov.u32 @p2 s8;
	vm2 =	vgt.s32 v8, $0x3F  }
0xa0: {  	s21 =	smov.u32 @p2 s22;
	v8 =	vmctz.xlane vm2;
	_ =	sdelay $0x1  }
0xa1: {  	v8 =	vxor.u32 $0x80000000, v8  }
0xa2: {  	(xrf0) =	vmax.scan.msk.u32 $0xffff, v8;
	_ =	sdelay $0x5  }
0xa3: {  	v8, _, _ =	vpop (xrf0)  }
0xa4: {  	(v2sf) =	vpush v8, $0xF;
	_ =	sdelay $0xd  }
.Ltmp8:
0xa5: {  	(pc) =	sbr.rel @!p1 .LBB2_10-.Ltmp8, $4  }
0xa6: {  	s0 =	spop (v2sf)  }
0xa7: {  	s17 =	sadd.s32 $0xFFFFFFF0, s17;
	s3 =	sxor.u32 $0x80000000, s0;
	s22 =	ssub.s32 s24, s0  }
0xa8: {  	s24 =	smov.u32 s25;
	v8 =	vld [tilespmem:s17+$0xFFFFF800];
	v10 =	vmov s3  }
0xa9: {  	s25 =	sadd.s32 $0xFFFFFFF0, s25;
	v9 =	vld [tilespmem:s17+$0xFFFFF900];
	vm2 =	veq.s32 v10, v0  }
0xaa: {  	s25 =	smov.u32 s24  }
.LBB2_12:
0xab: {  	v7 =	vnsel @p0 vm2, $0x0, v7;
	(xrf0) =	vadd.scan.msk.s32 @p0 $0xffff, v6  }
0xac: {  	v6 =	vld [tilespmem:s17+$0xFFFFFA00];
	v5 =	vnsel @p0 vm2, $0x0, v5;
	(xrf0) =	vadd.scan.msk.s32 @p0 $0xffff, v7  }
0xad: {  	v7 =	vld [tilespmem:s17+$0xFFFFFB00];
	(xrf0) =	vadd.scan.msk.s32 @p0 $0xffff, v5  }
0xae: {  	v5 =	vld [tilespmem:s17+$0xFFFFFC00]  }
0xaf: {  	v10 =	vld [tilespmem:s17+$0xFFFFFD00]  }
0xb0: {  	v8 =	vadd.s32 v8, v9;
	v9 =	vld [tilespmem:s17+$0xFFFFFE00]  }
0xb1: {  	v6 =	vadd.s32 v6, v8;
	v8 =	vld [tilespmem:s17+$0xFFFFFF00];
	v11, _, _ =	vpop @p0 (xrf0)  }
0xb2: {  	v6 =	vadd.s32 v7, v6;
	v7 =	vld [tilespmem:s17+$0x0];
	(v2sf) =	vpush @p0 v11, $0xF;
	v11, _, _ =	vpop @p0 (xrf0)  }
0xb3: {  	v5 =	vadd.s32 v5, v6;
	v6 =	vld [tilespmem:s17+$0x100];
	v12, _, _ =	vpop @p0 (xrf0);
	(v2sf) =	vpush @p0 v11, $0xF  }
0xb4: {  	v5 =	vadd.s32 v10, v5;
	v10 =	vld [tilespmem:s17+$0x200];
	(v2sf) =	vpush @p0 v12, $0xF  }
0xb5: {  	v5 =	vadd.s32 v9, v5;
	v9 =	vld [tilespmem:s17+$0x300]  }
0xb6: {  	v5 =	vadd.s32 v8, v5;
	v8 =	vld [tilespmem:s17+$0x400]  }
0xb7: {  	v5 =	vadd.s32 v7, v5;
	v7 =	vld [tilespmem:s17+$0x500]  }
0xb8: {  	v5 =	vadd.s32 v6, v5;
	v6 =	vld [tilespmem:s17+$0x600]  }
0xb9: {  	v5 =	vadd.s32 v10, v5;
	v10 =	vld [tilespmem:s17+$0x700]  }
0xba: {  	v5 =	vadd.s32 v9, v5  }
0xbb: {  	v5 =	vadd.s32 v8, v5  }
0xbc: {  	v5 =	vadd.s32 v7, v5  }
0xbd: {  	v5 =	vadd.s32 v6, v5  }
0xbe: {  	v5 =	vadd.s32 v10, v5  }
0xbf: {  	v6 =	vperm.xlane v5, v4;
	_ =	sdelay $0x1  }
0xc0: {  	(xrf0) =	vadd.scan.msk.s32 $0xffff, v6;
	s0 =	spop @p0 (v2sf)  }
0xc1: {  	s3 =	spop @p0 (v2sf);
	s0 =	sadd.s32 @p0 s23, s0  }
0xc2: {  	s3 =	sadd.s32 @p0 s23, s3;
	s8 =	spop @p0 (v2sf);
	p1 =	sgt.s32 @p0 s0, $0x3F  }
0xc3: {  	p2 =	seq.s32 @p0 s19, $0x0;
	s3 =	ssub.s32 @p0 s3, s8;
	p3 =	por !p1, !p0  }
0xc4: {  	s3 =	smov.u32 @p3 s0;
	p3 =	por !p2, !p0  }
0xc5: {  	s17 =	simm.s32 $0x0;
	s3 =	smov.u32 @p3 s23  }
0xc6: {  	v7, _, _ =	vpop (xrf0);
	s17 =	smov.u32 @p0 s3  }
0xc7: {  	v8 =	vadd.s32 s17, v7  }
0xc8: {  	vm2 =	vgt.s32 v8, $0x3F  }
0xc9: {  	v8 =	vmctz.xlane vm2;
	_ =	sdelay $0x1  }
0xca: {  	v8 =	vxor.u32 $0x80000000, v8  }
0xcb: {  	(xrf0) =	vmax.scan.msk.u32 $0xffff, v8;
	_ =	sdelay $0x5  }
0xcc: {  	v8, _, _ =	vpop (xrf0)  }
0xcd: {  	(v2sf) =	vpush v8, $0xF;
	_ =	sdelay $0xe  }
0xce: {  	s23 =	spop (v2sf)  }
0xcf: {  	s24 =	sxor.u32 $0x80000000, s23  }
0xd0: {  	v8 =	vmov s24  }
0xd1: {  	vm2 =	veq.s32 v8, v0  }
0xd2: {  	(xrf0) =	vadd.scan.msk.s32 $0xffff, v5;
	v7 =	vnsel vm2, $0x0, v7  }
0xd3: {  	v5 =	vnsel vm2, $0x0, v6;
	(xrf0) =	vadd.scan.msk.s32 $0xffff, v7  }
0xd4: {  	(xrf0) =	vadd.scan.msk.s32 $0xffff, v5;
	_ =	sdelay $0x3  }
0xd5: {  	v5, _, _ =	vpop (xrf0)  }
0xd6: {  	(v2sf) =	vpush v5, $0xF;
	v5, _, _ =	vpop (xrf0)  }
0xd7: {  	v6, _, _ =	vpop (xrf0);
	(v2sf) =	vpush v5, $0xF  }
0xd8: {  	(v2sf) =	vpush v6, $0xF;
	_ =	sdelay $0x8  }
0xd9: {  	p1 =	por @p0 !p2, !p1  }
0xda: {  	p1 =	por @p0 !p1, !p1  }
0xdb: {  	p1 =	por !p1, !p0  }
0xdc: {  	s29 =	simm.s32 $0x20;
	s19 =	simm.s32 @!p1 $0x1;
	s8 =	smov.u32 @p1 s20  }
0xdd: {  	s22 =	smov.u32 @p1 s21;
	s3 =	simm.s32 $0x0;
	s26 =	spop (v2sf)  }
0xde: {  	s3 =	smov.u32 @p0 s19;
	s0 =	ssub.s32 s25, s23;
	s28 =	spop (v2sf)  }
0xdf: {  	v17 =	vld [tilespmem:s29+$0xFFFFFFE0];
	s21 =	sadd.s32 s17, s26;
	s19 =	sadd.s32 s17, s28;
	s23 =	spop (v2sf)  }
0xe0: {  	v12 =	vld [tilespmem:s29+$0xFFFFFFF0];
	p2 =	seq.s32 s3, $0x0;
	p1 =	sgt.s32 s21, $0x3F;
	s19 =	ssub.s32 s19, s23  }
0xe1: {  	s20 =	simm.s32 $0x0;
	s21 =	smov.u32 @p1 s19;
	p1 =	por !p2, !p1  }
0xe2: {  	v9 =	vld [tilespmem:s29+$0x0];
	s20 =	smov.u32 @p0 s8;
	s18 =	smov.u32 @p0 s22;
	p0 =	por !p1, !p1  }
0xe3: {  	v5 =	vld [tilespmem:s29+$0x10];
	s18 =	smov.u32 @p0 s0  }
0xe4: {  	v7 =	vshrl.u32 v17, $0x18;
	v6 =	vmov s18  }
0xe5: {  	s30 =	simm.s32 $0x60;
	vm3 =	veq.s32 v7, v6;
	v7 =	vshrl.u32 v12, $0x18  }
0xe6: {  	v11 =	vld [tilespmem:s30+$0xFFFFFFE0];
	v10 =	vmpcnt.ones.xlane vm3;
	vm2 =	veq.s32 v7, v6  }
0xe7: {  	v8 =	vld [tilespmem:s30+$0xFFFFFFF0];
	v7 =	vshrl.u32 v9, $0x18;
	v13 =	vmpcnt.ones.xlane vm2  }
0xe8: {  	vm4 =	veq.s32 v7, v6;
	v7 =	vshrl.u32 v5, $0x18;
	(v2sf) =	vpush v10, $0x0;
	v10 =	vld [tilespmem:s30+$0x0]  }
0xe9: {  	v14 =	vmpcnt.ones.xlane vm4;
	vm5 =	veq.s32 v7, v6;
	v7 =	vld [tilespmem:s30+$0x10]  }
0xea: {  	v15 =	vmpcnt.ones.xlane vm5;
	(v2sf) =	vpush v13, $0x0  }
0xeb: {  	vm6 =	vmmov vm3;
	v13 =	vshrl.u32 v11, $0x18;
	(v2sf) =	vpush v14, $0x0  }
0xec: {  	vm10 =	veq.s32 v13, v6;
	v13 =	vshrl.u32 v8, $0x18;
	(v2sf) =	vpush v15, $0x0  }
0xed: {  	v14 =	vmpcnt.ones.xlane vm10;
	vm11 =	veq.s32 v13, v6;
	v15 =	vshrl.u32 v10, $0x18  }
0xee: {  	s31 =	simm.s32 $0xA0;
	v16 =	vmpcnt.ones.xlane vm11;
	v18 =	vshrl.u32 v7, $0x18;
	vm3 =	veq.s32 v15, v6  }
0xef: {  	v13 =	vld [tilespmem:s31+$0xFFFFFFE0];
	(v2sf) =	vpush v14, $0x0;
	vm12 =	veq.s32 v18, v6;
	v19 =	vmpcnt.ones.xlane vm3  }
0xf0: {  	(v2sf) =	vpush v16, $0x0;
	v18 =	vmpcnt.ones.xlane vm12  }
0xf1: {  	(v2sf) =	vpush v19, $0x0  }
0xf2: {  	(v2sf) =	vpush v18, $0x0  }
0xf3: {  	v15 =	vld [tilespmem:s31+$0xFFFFFFF0]  }
0xf4: {  	vm4 =	vmmov vm4;
	v14 =	vld [tilespmem:s31+$0x0];
	v16 =	vshrl.u32 v13, $0x18  }
0xf5: {  	vm2 =	vmmov vm2;
	vm8 =	vmmov vm4;
	vm4 =	veq.s32 v16, v6;
	v16 =	vld [tilespmem:s31+$0x10]  }
0xf6: {  	vm9 =	vmmov vm2;
	vm5 =	vmmov vm5  }
0xf7: {  	vm7 =	vmmov vm5;
	vm5 =	vmmov vm10;
	vm10 =	vmmov vm11  }
0xf8: {  	s22 =	simm.s32 $0xE0;
	s19 =	simm.s32 $0x0;
	vm3 =	vmmov vm3;
	vm2 =	vmmov vm12;
	v18 =	vshrl.u32 v15, $0x18  }
0xf9: {  	s17 =	smov.u32 @p2 s21;
	s21 =	simm.s32 $0x8;
	s20 =	smov.u32 @p0 s23;
	[tilespmem:s19+$0x8000] =	vst.msk vm6, v17;
	v17 =	vmpcnt.ones.xlane vm4;
	vm6 =	veq.s32 v18, v6;
	v18 =	vshrl.u32 v14, $0x18  }
.LBB2_13:
0xfa: {  	v19 =	vld [tilespmem:s22+$0xFFFFFFE0];
	s21 =	sadd.s32 $0x4, s21;
	v20 =	vmpcnt.ones.xlane vm6;
	vm11 =	veq.s32 v18, v6;
	v18 =	vshrl.u32 v16, $0x18;
	s0 =	spop (v2sf);
	v21 =	vmovc v16  }
0xfb: {  	v22 =	vld [tilespmem:s22+$0xFFFFFFF0];
	p0 =	slt.u32 s21, $0x7FC;
	v23 =	vmpcnt.ones.xlane vm11;
	vm12 =	veq.s32 v18, v6;
	(v2sf) =	vpush v17, $0x0;
	s0 =	sadd.s32 s19, s0;
	s3 =	spop (v2sf)  }
0xfc: {  	v24 =	vld [tilespmem:s22+$0x0];
	v17 =	vmpcnt.ones.xlane vm12;
	(v2sf) =	vpush v20, $0x0;
	[tilespmem:s0+$0x8000] =	vst.msk vm9, v12;
	s0 =	sadd.s32 s0, s3;
	s3 =	spop (v2sf);
	v12 =	vmovc v8;
	v8 =	vmovc v15;
	vm9 =	vmmov vm10  }
.Ltmp9:
0xfd: {  	v16 =	vld [tilespmem:s22+$0x10];
	(v2sf) =	vpush v23, $0x0;
	[tilespmem:s0+$0x8000] =	vst.msk vm8, v9;
	s0 =	sadd.s32 s0, s3;
	s3 =	spop (v2sf);
	v9 =	vmovc v10;
	v10 =	vmovc v14;
	vm8 =	vmmov vm3;
	vm3 =	vmmov vm11;
	(pc) =	sbr.rel @p0 .LBB2_13-.Ltmp9, $4  }
0xfe: {  	(v2sf) =	vpush v17, $0x0;
	[tilespmem:s0+$0x8000] =	vst.msk vm7, v5;
	s19 =	sadd.s32 s0, s3;
	v5 =	vmovc v7;
	v7 =	vmovc v21;
	vm7 =	vmmov vm2;
	vm2 =	vmmov vm12  }
0xff: {  	vm10 =	vmmov vm6;
	v20 =	vshrl.u32 v19, $0x18;
	[tilespmem:s19+$0x8000] =	vst.msk vm5, v11;
	v11 =	vmovc v13;
	v13 =	vmovc v19;
	vm5 =	vmmov vm4  }
0x100: {  	vm4 =	veq.s32 v20, v6;
	v19 =	vshrl.u32 v22, $0x18;
	v15 =	vmov v22  }
0x101: {  	s22 =	sadd.s32 $0x40, s22;
	v17 =	vmpcnt.ones.xlane vm4;
	vm6 =	veq.s32 v19, v6;
	v18 =	vshrl.u32 v24, $0x18;
	v14 =	vmovc v24  }
0x102: {  	v19 =	vmpcnt.ones.xlane vm6;
	vm12 =	veq.s32 v18, v6  }
0x103: {  	v20 =	vmpcnt.ones.xlane vm12;
	(v2sf) =	vpush v17, $0x0  }
0x104: {  	(v2sf) =	vpush v19, $0x0  }
0x105: {  	(v2sf) =	vpush v20, $0x0;
	_ =	sdelay $0x4  }
0x106: {  	v62 =	vshrl.u32 v16, $0x18;
	s0 =	spop (v2sf)  }
0x107: {  	vm11 =	veq.s32 v62, v6;
	s0 =	sadd.s32 s19, s0;
	s3 =	spop (v2sf)  }
0x108: {  	v63 =	vmpcnt.ones.xlane vm11;
	[tilespmem:s0+$0x8000] =	vst.msk vm9, v12;
	s0 =	sadd.s32 s0, s3;
	s21 =	spop (v2sf)  }
0x109: {  	[tilespmem:s0+$0x8000] =	vst.msk vm8, v9;
	s0 =	sadd.s32 s0, s21;
	s22 =	spop (v2sf)  }
0x10a: {  	(v2sf) =	vpush v63, $0x0;
	[tilespmem:s0+$0x8000] =	vst.msk vm7, v5;
	s0 =	sadd.s32 s0, s22;
	s23 =	spop (v2sf)  }
0x10b: {  	vm14 =	vmmov vm10;
	[tilespmem:s0+$0x8000] =	vst.msk vm5, v11;
	s0 =	sadd.s32 s0, s23;
	s24 =	spop (v2sf)  }
0x10c: {  	vm3 =	vmmov vm3;
	[tilespmem:s0+$0x8000] =	vst.msk vm14, v8;
	s0 =	sadd.s32 s0, s24;
	s25 =	spop (v2sf)  }
0x10d: {  	vm2 =	vmmov vm2;
	[tilespmem:s0+$0x8000] =	vst.msk vm3, v10;
	s0 =	sadd.s32 s0, s25;
	s26 =	spop (v2sf)  }
0x10e: {  	vm15 =	vmmov vm6;
	vm3 =	vmmov vm4;
	[tilespmem:s0+$0x8000] =	vst.msk vm2, v7;
	s0 =	sadd.s32 s0, s26;
	s28 =	spop (v2sf)  }
0x10f: {  	vm4 =	vmmov vm15;
	vm2 =	vmmov vm12;
	[tilespmem:s0+$0x8000] =	vst.msk vm3, v13;
	s0 =	sadd.s32 s0, s28;
	s29 =	spop (v2sf)  }
0x110: {  	vm3 =	vmmov vm11;
	vm2 =	vmmov vm2;
	[tilespmem:s0+$0x8000] =	vst.msk vm4, v15;
	s0 =	sadd.s32 s0, s29;
	s30 =	spop (v2sf)  }
0x111: {  	vm3 =	vmmov vm3;
	[tilespmem:s0+$0x8000] =	vst.msk vm2, v14;
	s0 =	sadd.s32 s0, s30  }
0x112: {  	[tilespmem:s0+$0x8000] =	vst.msk vm3, v16;
	s0 =	simm.s32 $0x100C0  }
0x113: {  	[tilespmem:s0+$0xFFFFFFC0] =	vst v1  }
0x114: {  	[tilespmem:s0+$0x30] =	vst v1  }
0x115: {  	[tilespmem:s0+$0x20] =	vst v1  }
0x116: {  	[tilespmem:s0+$0x10] =	vst v1  }
0x117: {  	[tilespmem:s0+$0x0] =	vst v1  }
0x118: {  	[tilespmem:s0+$0xFFFFFFF0] =	vst v1  }
0x119: {  	s3 =	simm.s32 $0x0;
	s31 =	spop (v2sf);
	[tilespmem:s0+$0xFFFFFFE0] =	vst v1  }
.LBB2_15:
0x11a: {  	s3 =	sadd.s32 $0x8, s3;
	[tilespmem:s0+$0xFFFFFFD0] =	vst v1;
	s0 =	sadd.s32 $0x80, s0  }
0x11b: {  	[tilespmem:s0+$0xFFFFFFC0] =	vst v1;
	p0 =	slt.u32 s3, $0xF8  }
0x11c: {  	[tilespmem:s0+$0x30] =	vst v1  }
.Ltmp10:
0x11d: {  	[tilespmem:s0+$0x20] =	vst v1;
	(pc) =	sbr.rel @p0 .LBB2_15-.Ltmp10, $4  }
0x11e: {  	[tilespmem:s0+$0x10] =	vst v1  }
0x11f: {  	[tilespmem:s0+$0x0] =	vst v1  }
0x120: {  	[tilespmem:s0+$0xFFFFFFF0] =	vst v1  }
0x121: {  	[tilespmem:s0+$0xFFFFFFE0] =	vst v1  }
0x122: {  	s30 =	sadd.s32 $0xF, s20  }
0x123: {  	s3 =	sand.u32 $0xF, s30  }
0x124: {  	s8 =	sshra.s32 s30, $0x1F;
	p0 =	slt.s32 s30, $0x1;
	p1 =	sne.s32 s3, $0x0  }
0x125: {  	s31 =	sshrl.u32 s8, $0x1C;
	p0 =	por !p0, !p1  }
0x126: {  	[tilespmem:s0+$0xFFFFFFD0] =	vst v1;
	s3 =	simm.s32 $0x1;
	s0 =	sadd.s32 s31, s30;
	p0 =	por !p0, !p0  }
0x127: {  	s0 =	sshra.s32 s0, $0x4;
	s3 =	simm.s32 @!p0 $0x0  }
0x128: {  	s19 =	ssub.s32 s0, s3  }
0x129: {  	p0 =	slt.s32 s19, $0x1  }
.Ltmp11:
0x12a: {  	_ = 	snop;
	(pc) =	sbr.rel @p0 .LBB2_23-.Ltmp11, $2  }
0x12b: {  	_ =	sdelay $0x2  }
0x12c: {  	v5 =	vmov s20  }
0x12d: {  	p2 =	sne.s32 s19, $0x1  }
.Ltmp12:
0x12e: {  	_ = 	snop;
	(pc) =	sbr.rel @!p2 .LBB2_18-.Ltmp12, $3  }
0x12f: {  	_ =	sdelay $0x1  }
0x130: {  	s3 =	simm.s32 $0x8000  }
0x131: {  	s0 =	simm.s32 $0x0;
	p1 =	por $0x0, $0x0;
	v7 =	vld [tilespmem:s3+$0x0];
	s3 =	sadd.s32 $0xFFFFFFFF, s19  }
0x132: {  	_ =	sdelay $0x3  }
0x133: {  	v8 =	vor.u32 s0, v0;
	v9 =	vshrl.u32 v7, $0x18  }
0x134: {  	vm2 =	vlt.s32 v8, v5;
	v7 =	vshrl.u32 v7, $0x10;
	vm3 =	veq.s32 v9, v6  }
0x135: {  	v7 =	vand.u32 $0xFF, v7;
	vm2 =	vmand vm2, vm3  }
0x136: {  	v7 =	vor.u32 v2, v7  }
0x137: {  	p2 =	sne.s32 s3, $0x1  }
.Ltmp13:
0x138: {  	_ = 	snop;
	(pc) =	sbr.rel @!p2 .LBB2_20-.Ltmp13, $3  }
0x139: {  	_ =	sdelay $0x1  }
0x13a: {  	s8 =	simm.s32 $0x8010;
	[tilespmem:v7+s12+$0x0] =	vst.idx.add.s32.msk vm2, v3  }
0x13b: {  	s20 =	sadd.s32 $0xFFFFFFFF, s3;
	p1 =	por $0x1, $0x1;
	s3 =	simm.s32 $0x0;
	v7 =	vld [tilespmem:s8+$0x0]  }
.LBB2_21:
0x13c: {  	p2 =	sne.s32 s20, $0x1;
	_ =	sdelay $0x2  }
0x13d: {  	s3 =	sadd.s32 $0x10, s3  }
0x13e: {  	v8 =	vor.u32 s3, v0;
	v9 =	vshrl.u32 v7, $0x18  }
0x13f: {  	vm2 =	vlt.s32 v8, v5;
	v7 =	vshrl.u32 v7, $0x10;
	vm3 =	veq.s32 v9, v6  }
0x140: {  	v7 =	vand.u32 $0xFF, v7;
	vm2 =	vmand vm2, vm3  }
0x141: {  	v7 =	vor.u32 v2, v7;
	_ =	sdelay $0x1  }
.Ltmp14:
0x142: {  	(pc) =	sbr.rel @p2 .LBB2_21-.Ltmp14, $3  }
0x143: {  	_ =	sdelay $0x1  }
0x144: {  	s8 =	sadd.s32 $0x10, s8;
	[tilespmem:v7+s12+$0x0] =	vst.idx.add.s32.msk vm2, v3  }
0x145: {  	s20 =	sadd.s32 $0xFFFFFFFF, s20;
	v7 =	vld [tilespmem:s8+$0x0]  }
.LBB2_22:
0x146: {  	_ =	sdelay $0x1  }
0x147: {  	s3 =	sadd.s32 @p1 $0x10, s3  }
0x148: {  	s0 =	smov.u32 @p1 s3  }
0x149: {  	v8 =	vor.u32 s0, v0;
	v9 =	vshrl.u32 v7, $0x18  }
0x14a: {  	vm2 =	vlt.s32 v8, v5;
	vm3 =	veq.s32 v9, v6;
	v6 =	vshrl.u32 v7, $0x10  }
0x14b: {  	vm2 =	vmand vm2, vm3;
	v6 =	vand.u32 $0xFF, v6  }
0x14c: {  	v6 =	vor.u32 v2, v6;
	_ =	sdelay $0x4  }
0x14d: {  	[tilespmem:v6+s12+$0x0] =	vst.idx.add.s32.msk vm2, v3  }
.LBB2_23:
0x14e: {  	p2 =	por $0x0, $0x0  }
.Ltmp15:
0x14f: {  	_ = 	snop;
	(pc) =	sbr.rel @p2 .LBB2_24-.Ltmp15, $4  }
0x150: {  	_ = 	snop  }
0x151: {  	s22 =	simm.s32 $0x10970  }
0x152: {  	s20 =	simm.s32 $0x0;
	v9 =	vld [tilespmem:s22+$0xFFFFF800]  }
0x153: {  	s28 =	simm.s32 $0x800000FF;
	s26 =	simm.s32 $0x800000EF;
	p1 =	por $0x0, $0x0;
	v10 =	vld [tilespmem:s22+$0xFFFFF900]  }
0x154: {  	v6 =	vld [tilespmem:s22+$0xFFFFFA00]  }
0x155: {  	v7 =	vld [tilespmem:s22+$0xFFFFFB00]  }
0x156: {  	v8 =	vld [tilespmem:s22+$0xFFFFFC00]  }
0x157: {  	v11 =	vld [tilespmem:s22+$0xFFFFFD00]  }
0x158: {  	v9 =	vadd.s32 v9, v10;
	v10 =	vld [tilespmem:s22+$0xFFFFFE00]  }
0x159: {  	v6 =	vadd.s32 v6, v9;
	v9 =	vld [tilespmem:s22+$0xFFFFFF00]  }
0x15a: {  	v6 =	vadd.s32 v7, v6;
	v7 =	vld [tilespmem:s22+$0x0]  }
0x15b: {  	v6 =	vadd.s32 v8, v6;
	v8 =	vld [tilespmem:s22+$0x100]  }
0x15c: {  	v6 =	vadd.s32 v11, v6;
	v11 =	vld [tilespmem:s22+$0x200]  }
0x15d: {  	v6 =	vadd.s32 v10, v6;
	v10 =	vld [tilespmem:s22+$0x300]  }
0x15e: {  	v6 =	vadd.s32 v9, v6;
	v9 =	vld [tilespmem:s22+$0x400]  }
0x15f: {  	v6 =	vadd.s32 v7, v6;
	v7 =	vld [tilespmem:s22+$0x500]  }
0x160: {  	v6 =	vadd.s32 v8, v6;
	v8 =	vld [tilespmem:s22+$0x600]  }
0x161: {  	v6 =	vadd.s32 v11, v6;
	v11 =	vld [tilespmem:s22+$0x700]  }
0x162: {  	v6 =	vadd.s32 v10, v6  }
0x163: {  	v6 =	vadd.s32 v9, v6  }
0x164: {  	v6 =	vadd.s32 v7, v6  }
0x165: {  	v6 =	vadd.s32 v8, v6  }
0x166: {  	v7 =	vadd.s32 v11, v6  }
0x167: {  	v6 =	vperm.xlane v7, v4;
	_ =	sdelay $0x1  }
0x168: {  	(xrf0) =	vadd.scan.msk.s32 $0xffff, v6;
	_ =	sdelay $0x5  }
0x169: {  	v8, _, _ =	vpop (xrf0)  }
0x16a: {  	v9 =	vadd.s32 s17, v8  }
0x16b: {  	vm2 =	vgt.s32 v9, $0x3F  }
0x16c: {  	v9 =	vmctz.xlane vm2;
	_ =	sdelay $0x1  }
0x16d: {  	v9 =	vxor.u32 $0x80000000, v9  }
0x16e: {  	(xrf0) =	vmax.scan.msk.u32 $0xffff, v9;
	_ =	sdelay $0x5  }
0x16f: {  	v9, _, _ =	vpop (xrf0)  }
0x170: {  	(v2sf) =	vpush v9, $0xF;
	_ =	sdelay $0xc  }
0x171: {  	p2 =	por $0x0, $0x0  }
.Ltmp16:
0x172: {  	_ = 	snop;
	(pc) =	sbr.rel @p2 .LBB2_26-.Ltmp16, $4  }
0x173: {  	s0 =	spop (v2sf)  }
0x174: {  	s22 =	simm.s32 $0x10960;
	s3 =	sxor.u32 $0x80000000, s0  }
0x175: {  	s28 =	simm.s32 $0x800000DF;
	p1 =	por $0x1, $0x1;
	s25 =	smov.u32 s17;
	v10 =	vld [tilespmem:s22+$0xFFFFF900];
	v11 =	vmov s3  }
0x176: {  	s21 =	simm.s32 $0x0;
	s23 =	simm.s32 $0x0;
	v9 =	vld [tilespmem:s22+$0xFFFFF800];
	s24 =	ssub.s32 $0x800000FF, s0;
	vm2 =	veq.s32 v11, v0  }
.LBB2_27:
0x177: {  	p2 =	seq.s32 s28, $0x8000000F;
	v11 =	vld [tilespmem:s22+$0xFFFFFA00];
	v8 =	vnsel vm2, $0x0, v8;
	(xrf0) =	vadd.scan.msk.s32 $0xffff, v7  }
0x178: {  	v6 =	vnsel vm2, $0x0, v6;
	v7 =	vld [tilespmem:s22+$0xFFFFFB00];
	(xrf0) =	vadd.scan.msk.s32 $0xffff, v8  }
0x179: {  	v8 =	vld [tilespmem:s22+$0xFFFFFC00];
	(xrf0) =	vadd.scan.msk.s32 $0xffff, v6  }
0x17a: {  	v6 =	vld [tilespmem:s22+$0xFFFFFD00]  }
0x17b: {  	v9 =	vadd.s32 v9, v10;
	v10 =	vld [tilespmem:s22+$0xFFFFFE00]  }
0x17c: {  	v9 =	vadd.s32 v11, v9;
	v11 =	vld [tilespmem:s22+$0xFFFFFF00]  }
0x17d: {  	v7 =	vadd.s32 v7, v9;
	v9 =	vld [tilespmem:s22+$0x0];
	v12, _, _ =	vpop (xrf0)  }
0x17e: {  	v7 =	vadd.s32 v8, v7;
	v8 =	vld [tilespmem:s22+$0x100];
	(v2sf) =	vpush v12, $0xF;
	v12, _, _ =	vpop (xrf0)  }
0x17f: {  	v6 =	vadd.s32 v6, v7;
	v7 =	vld [tilespmem:s22+$0x200];
	v13, _, _ =	vpop (xrf0);
	(v2sf) =	vpush v12, $0xF  }
0x180: {  	v6 =	vadd.s32 v10, v6;
	v10 =	vld [tilespmem:s22+$0x300];
	(v2sf) =	vpush v13, $0xF  }
0x181: {  	v6 =	vadd.s32 v11, v6;
	v11 =	vld [tilespmem:s22+$0x400]  }
0x182: {  	v6 =	vadd.s32 v9, v6;
	v9 =	vld [tilespmem:s22+$0x500]  }
0x183: {  	v6 =	vadd.s32 v8, v6;
	v8 =	vld [tilespmem:s22+$0x600]  }
0x184: {  	v6 =	vadd.s32 v7, v6;
	v7 =	vld [tilespmem:s22+$0x700]  }
0x185: {  	v6 =	vadd.s32 v10, v6  }
0x186: {  	v6 =	vadd.s32 v11, v6  }
0x187: {  	v6 =	vadd.s32 v9, v6  }
0x188: {  	v6 =	vadd.s32 v8, v6  }
0x189: {  	v7 =	vadd.s32 v7, v6  }
0x18a: {  	v6 =	vperm.xlane v7, v4;
	_ =	sdelay $0x1  }
0x18b: {  	(xrf0) =	vadd.scan.msk.s32 $0xffff, v6  }
0x18c: {  	s0 =	spop (v2sf)  }
0x18d: {  	s3 =	spop (v2sf)  }
0x18e: {  	s0 =	sadd.s32 s25, s0;
	s3 =	sadd.s32 s25, s3;
	s8 =	spop (v2sf)  }
0x18f: {  	p3 =	sgt.s32 s0, $0x3F;
	s3 =	ssub.s32 s3, s8  }
0x190: {  	p4 =	seq.s32 s21, $0x0;
	s0 =	smov.u32 @p3 s3  }
0x191: {  	p3 =	por !p4, !p3;
	v8, _, _ =	vpop (xrf0);
	s25 =	smov.u32 @p4 s0  }
0x192: {  	p3 =	por !p3, !p3;
	v9 =	vadd.s32 s25, v8  }
0x193: {  	s21 =	simm.s32 @p3 $0x1;
	s23 =	smov.u32 @p3 s24;
	vm2 =	vgt.s32 v9, $0x3F  }
0x194: {  	v9 =	vmctz.xlane vm2;
	_ =	sdelay $0x1  }
0x195: {  	v9 =	vxor.u32 $0x80000000, v9  }
0x196: {  	(xrf0) =	vmax.scan.msk.u32 $0xffff, v9;
	_ =	sdelay $0x5  }
0x197: {  	v9, _, _ =	vpop (xrf0)  }
0x198: {  	(v2sf) =	vpush v9, $0xF;
	_ =	sdelay $0xd  }
.Ltmp17:
0x199: {  	(pc) =	sbr.rel @!p2 .LBB2_27-.Ltmp17, $4  }
0x19a: {  	s0 =	spop (v2sf)  }
0x19b: {  	s22 =	sadd.s32 $0xFFFFFFF0, s22;
	s3 =	sxor.u32 $0x80000000, s0;
	s24 =	ssub.s32 s26, s0  }
0x19c: {  	s26 =	smov.u32 s28;
	v9 =	vld [tilespmem:s22+$0xFFFFF800];
	v11 =	vmov s3  }
0x19d: {  	s28 =	sadd.s32 $0xFFFFFFF0, s28;
	v10 =	vld [tilespmem:s22+$0xFFFFF900];
	vm2 =	veq.s32 v11, v0  }
0x19e: {  	s28 =	smov.u32 s26  }
.LBB2_29:
0x19f: {  	v8 =	vnsel @p1 vm2, $0x0, v8;
	(xrf0) =	vadd.scan.msk.s32 @p1 $0xffff, v7  }
0x1a0: {  	v7 =	vld [tilespmem:s22+$0xFFFFFA00];
	v6 =	vnsel @p1 vm2, $0x0, v6;
	(xrf0) =	vadd.scan.msk.s32 @p1 $0xffff, v8  }
0x1a1: {  	v52 =	vld [tilespmem:s22+$0xFFFFFB00];
	(xrf0) =	vadd.scan.msk.s32 @p1 $0xffff, v6  }
0x1a2: {  	v6 =	vld [tilespmem:s22+$0xFFFFFC00]  }
0x1a3: {  	v11 =	vld [tilespmem:s22+$0xFFFFFD00]  }
0x1a4: {  	v53 =	vld [tilespmem:s22+$0xFFFFFE00];
	v9 =	vadd.s32 v9, v10  }
0x1a5: {  	v54 =	vld [tilespmem:s22+$0xFFFFFF00];
	v7 =	vadd.s32 v7, v9;
	v12, _, _ =	vpop @p1 (xrf0)  }
0x1a6: {  	v55 =	vld [tilespmem:s22+$0x0];
	v7 =	vadd.s32 v52, v7;
	(v2sf) =	vpush @p1 v12, $0xF;
	v12, _, _ =	vpop @p1 (xrf0)  }
0x1a7: {  	v6 =	vadd.s32 v6, v7;
	v7 =	vld [tilespmem:s22+$0x100];
	v13, _, _ =	vpop @p1 (xrf0);
	(v2sf) =	vpush @p1 v12, $0xF  }
0x1a8: {  	v56 =	vld [tilespmem:s22+$0x200];
	v6 =	vadd.s32 v11, v6;
	(v2sf) =	vpush @p1 v13, $0xF  }
0x1a9: {  	v57 =	vld [tilespmem:s22+$0x300];
	v6 =	vadd.s32 v53, v6  }
0x1aa: {  	v58 =	vld [tilespmem:s22+$0x400];
	v6 =	vadd.s32 v54, v6  }
0x1ab: {  	v59 =	vld [tilespmem:s22+$0x500];
	v6 =	vadd.s32 v55, v6  }
0x1ac: {  	v6 =	vadd.s32 v7, v6;
	v7 =	vld [tilespmem:s22+$0x600]  }
0x1ad: {  	v60 =	vld [tilespmem:s22+$0x700];
	v6 =	vadd.s32 v56, v6  }
0x1ae: {  	v6 =	vadd.s32 v57, v6  }
0x1af: {  	v6 =	vadd.s32 v58, v6  }
0x1b0: {  	v6 =	vadd.s32 v59, v6  }
0x1b1: {  	v6 =	vadd.s32 v7, v6  }
0x1b2: {  	v6 =	vadd.s32 v60, v6  }
0x1b3: {  	v7 =	vperm.xlane v6, v4;
	_ =	sdelay $0x1  }
0x1b4: {  	(xrf0) =	vadd.scan.msk.s32 $0xffff, v7;
	s0 =	spop @p1 (v2sf)  }
0x1b5: {  	s3 =	spop @p1 (v2sf);
	s0 =	sadd.s32 @p1 s25, s0  }
0x1b6: {  	s3 =	sadd.s32 @p1 s25, s3;
	s8 =	spop @p1 (v2sf);
	p2 =	sgt.s32 @p1 s0, $0x3F  }
0x1b7: {  	p3 =	seq.s32 @p1 s21, $0x0;
	s3 =	ssub.s32 @p1 s3, s8;
	p4 =	por !p2, !p1  }
0x1b8: {  	s3 =	smov.u32 @p4 s0;
	p4 =	por !p3, !p1  }
0x1b9: {  	s3 =	smov.u32 @p4 s25  }
0x1ba: {  	v61, _, _ =	vpop (xrf0);
	s17 =	smov.u32 @p1 s3  }
0x1bb: {  	v62 =	vadd.s32 s17, v61  }
0x1bc: {  	vm2 =	vgt.s32 v62, $0x3F  }
0x1bd: {  	v9 =	vmctz.xlane vm2;
	_ =	sdelay $0x1  }
0x1be: {  	v9 =	vxor.u32 $0x80000000, v9  }
0x1bf: {  	(xrf0) =	vmax.scan.msk.u32 $0xffff, v9;
	_ =	sdelay $0x5  }
0x1c0: {  	v9, _, _ =	vpop (xrf0)  }
0x1c1: {  	(v2sf) =	vpush v9, $0xF;
	_ =	sdelay $0xe  }
0x1c2: {  	s14 =	spop (v2sf)  }
0x1c3: {  	(xrf0) =	vadd.scan.msk.s32 $0xffff, v6;
	s25 =	sxor.u32 $0x80000000, s14  }
0x1c4: {  	v63 =	vmov s25  }
0x1c5: {  	vm2 =	veq.s32 v63, v0  }
0x1c6: {  	v6 =	vnsel vm2, $0x0, v7  }
0x1c7: {  	v8 =	vnsel vm2, $0x0, v61  }
0x1c8: {  	(xrf0) =	vadd.scan.msk.s32 $0xffff, v8  }
0x1c9: {  	(xrf0) =	vadd.scan.msk.s32 $0xffff, v6;
	v6, _, _ =	vpop (xrf0)  }
0x1ca: {  	(v2sf) =	vpush v6, $0xF;
	_ =	sdelay $0x6  }
0x1cb: {  	v6, _, _ =	vpop (xrf0)  }
0x1cc: {  	(v2sf) =	vpush v6, $0xF;
	v6, _, _ =	vpop (xrf0)  }
0x1cd: {  	(v2sf) =	vpush v6, $0xF;
	_ =	sdelay $0x2  }
0x1ce: {  	p2 =	por @p1 !p3, !p2  }
0x1cf: {  	p2 =	por @p1 !p2, !p2  }
0x1d0: {  	p2 =	por !p2, !p1  }
0x1d1: {  	s8 =	simm.s32 $0x0;
	s21 =	simm.s32 @!p2 $0x1;
	s26 =	spop (v2sf)  }
0x1d2: {  	s8 =	smov.u32 @p1 s21;
	s3 =	sadd.s32 s17, s26  }
0x1d3: {  	s24 =	smov.u32 @p2 s23;
	p3 =	seq.s32 s8, $0x0;
	p2 =	sgt.s32 s3, $0x3F  }
0x1d4: {  	p6 =	por !p3, !p2  }
0x1d5: {  	s20 =	smov.u32 @p1 s24;
	s0 =	ssub.s32 s28, s14;
	p1 =	por !p6, !p6  }
0x1d6: {  	s20 =	smov.u32 @p1 s0;
	s0 =	simm.s32 $0x100C0  }
0x1d7: {  	[tilespmem:s0+$0xFFFFFFC0] =	vst v1  }
0x1d8: {  	[tilespmem:s0+$0x30] =	vst v1  }
0x1d9: {  	s29 =	spop (v2sf);
	[tilespmem:s0+$0x20] =	vst v1  }
0x1da: {  	s30 =	sadd.s32 s17, s29;
	s31 =	spop (v2sf);
	[tilespmem:s0+$0x10] =	vst v1  }
0x1db: {  	s8 =	ssub.s32 s30, s31;
	[tilespmem:s0+$0x0] =	vst v1  }
0x1dc: {  	[tilespmem:s0+$0xFFFFFFF0] =	vst v1;
	s3 =	smov.u32 @p2 s8  }
0x1dd: {  	[tilespmem:s0+$0xFFFFFFE0] =	vst v1;
	s17 =	smov.u32 @p3 s3;
	s3 =	simm.s32 $0x0  }
.LBB2_30:
0x1de: {  	s3 =	sadd.s32 $0x8, s3;
	[tilespmem:s0+$0xFFFFFFD0] =	vst v1;
	s0 =	sadd.s32 $0x80, s0  }
0x1df: {  	[tilespmem:s0+$0xFFFFFFC0] =	vst v1;
	p1 =	slt.u32 s3, $0xF8  }
0x1e0: {  	[tilespmem:s0+$0x30] =	vst v1  }
.Ltmp18:
0x1e1: {  	[tilespmem:s0+$0x20] =	vst v1;
	(pc) =	sbr.rel @p1 .LBB2_30-.Ltmp18, $4  }
0x1e2: {  	[tilespmem:s0+$0x10] =	vst v1  }
0x1e3: {  	[tilespmem:s0+$0x0] =	vst v1  }
0x1e4: {  	[tilespmem:s0+$0xFFFFFFF0] =	vst v1  }
0x1e5: {  	[tilespmem:s0+$0xFFFFFFE0] =	vst v1  }
.Ltmp19:
0x1e6: {  	(pc) =	sbr.rel @p0 .LBB2_38-.Ltmp19, $3  }
0x1e7: {  	_ =	sdelay $0x1  }
0x1e8: {  	s31 =	sshll.u32 s18, $0x8  }
0x1e9: {  	[tilespmem:s0+$0xFFFFFFD0] =	vst v1;
	s18 =	sadd.s32 s31, s20  }
0x1ea: {  	p2 =	sne.s32 s19, $0x1  }
.Ltmp20:
0x1eb: {  	_ = 	snop;
	(pc) =	sbr.rel @!p2 .LBB2_33-.Ltmp20, $3  }
0x1ec: {  	_ =	sdelay $0x1  }
0x1ed: {  	s3 =	simm.s32 $0x8000  }
0x1ee: {  	v6 =	vmov s18;
	s0 =	simm.s32 $0x0;
	p1 =	por $0x0, $0x0;
	v7 =	vld [tilespmem:s3+$0x0];
	s3 =	sadd.s32 $0xFFFFFFFF, s19  }
0x1ef: {  	_ =	sdelay $0x3  }
0x1f0: {  	v8 =	vor.u32 s0, v0;
	v9 =	vshrl.u32 v7, $0x10  }
0x1f1: {  	vm2 =	vlt.s32 v8, v5;
	v7 =	vshrl.u32 v7, $0x8;
	vm3 =	veq.s32 v9, v6  }
0x1f2: {  	v7 =	vand.u32 $0xFF, v7;
	vm2 =	vmand vm2, vm3  }
0x1f3: {  	v7 =	vor.u32 v2, v7  }
0x1f4: {  	p2 =	sne.s32 s3, $0x1  }
.Ltmp21:
0x1f5: {  	_ = 	snop;
	(pc) =	sbr.rel @!p2 .LBB2_35-.Ltmp21, $3  }
0x1f6: {  	_ =	sdelay $0x1  }
0x1f7: {  	s8 =	simm.s32 $0x8010;
	[tilespmem:v7+s12+$0x0] =	vst.idx.add.s32.msk vm2, v3  }
0x1f8: {  	s20 =	sadd.s32 $0xFFFFFFFF, s3;
	p1 =	por $0x1, $0x1;
	s3 =	simm.s32 $0x0;
	v7 =	vld [tilespmem:s8+$0x0]  }
.LBB2_36:
0x1f9: {  	p2 =	sne.s32 s20, $0x1;
	_ =	sdelay $0x2  }
0x1fa: {  	s3 =	sadd.s32 $0x10, s3  }
0x1fb: {  	v8 =	vor.u32 s3, v0;
	v9 =	vshrl.u32 v7, $0x10  }
0x1fc: {  	vm2 =	vlt.s32 v8, v5;
	v7 =	vshrl.u32 v7, $0x8;
	vm3 =	veq.s32 v9, v6  }
0x1fd: {  	v7 =	vand.u32 $0xFF, v7;
	vm2 =	vmand vm2, vm3  }
0x1fe: {  	v7 =	vor.u32 v2, v7;
	_ =	sdelay $0x1  }
.Ltmp22:
0x1ff: {  	(pc) =	sbr.rel @p2 .LBB2_36-.Ltmp22, $3  }
0x200: {  	_ =	sdelay $0x1  }
0x201: {  	s8 =	sadd.s32 $0x10, s8;
	[tilespmem:v7+s12+$0x0] =	vst.idx.add.s32.msk vm2, v3  }
0x202: {  	s20 =	sadd.s32 $0xFFFFFFFF, s20;
	v7 =	vld [tilespmem:s8+$0x0]  }
.LBB2_37:
0x203: {  	_ =	sdelay $0x1  }
0x204: {  	s3 =	sadd.s32 @p1 $0x10, s3  }
0x205: {  	s0 =	smov.u32 @p1 s3  }
0x206: {  	v8 =	vor.u32 s0, v0;
	v9 =	vshrl.u32 v7, $0x10  }
0x207: {  	vm2 =	vlt.s32 v8, v5;
	vm3 =	veq.s32 v9, v6;
	v6 =	vshrl.u32 v7, $0x8  }
0x208: {  	vm2 =	vmand vm2, vm3;
	v6 =	vand.u32 $0xFF, v6  }
0x209: {  	v6 =	vor.u32 v2, v6;
	_ =	sdelay $0x4  }
0x20a: {  	[tilespmem:v6+s12+$0x0] =	vst.idx.add.s32.msk vm2, v3  }
.LBB2_38:
0x20b: {  	p2 =	por $0x0, $0x0  }
.Ltmp23:
0x20c: {  	_ = 	snop;
	(pc) =	sbr.rel @p2 .LBB2_39-.Ltmp23, $4  }
0x20d: {  	_ = 	snop  }
0x20e: {  	s22 =	simm.s32 $0x10970  }
0x20f: {  	s20 =	simm.s32 $0x0;
	v9 =	vld [tilespmem:s22+$0xFFFFF800]  }
0x210: {  	s28 =	simm.s32 $0x800000FF;
	s26 =	simm.s32 $0x800000EF;
	p1 =	por $0x0, $0x0;
	v10 =	vld [tilespmem:s22+$0xFFFFF900]  }
0x211: {  	v6 =	vld [tilespmem:s22+$0xFFFFFA00]  }
0x212: {  	v7 =	vld [tilespmem:s22+$0xFFFFFB00]  }
0x213: {  	v8 =	vld [tilespmem:s22+$0xFFFFFC00]  }
0x214: {  	v11 =	vld [tilespmem:s22+$0xFFFFFD00]  }
0x215: {  	v9 =	vadd.s32 v9, v10;
	v10 =	vld [tilespmem:s22+$0xFFFFFE00]  }
0x216: {  	v6 =	vadd.s32 v6, v9;
	v9 =	vld [tilespmem:s22+$0xFFFFFF00]  }
0x217: {  	v6 =	vadd.s32 v7, v6;
	v7 =	vld [tilespmem:s22+$0x0]  }
0x218: {  	v6 =	vadd.s32 v8, v6;
	v8 =	vld [tilespmem:s22+$0x100]  }
0x219: {  	v6 =	vadd.s32 v11, v6;
	v11 =	vld [tilespmem:s22+$0x200]  }
0x21a: {  	v6 =	vadd.s32 v10, v6;
	v10 =	vld [tilespmem:s22+$0x300]  }
0x21b: {  	v6 =	vadd.s32 v9, v6;
	v9 =	vld [tilespmem:s22+$0x400]  }
0x21c: {  	v6 =	vadd.s32 v7, v6;
	v7 =	vld [tilespmem:s22+$0x500]  }
0x21d: {  	v6 =	vadd.s32 v8, v6;
	v8 =	vld [tilespmem:s22+$0x600]  }
0x21e: {  	v6 =	vadd.s32 v11, v6;
	v11 =	vld [tilespmem:s22+$0x700]  }
0x21f: {  	v6 =	vadd.s32 v10, v6  }
0x220: {  	v6 =	vadd.s32 v9, v6  }
0x221: {  	v6 =	vadd.s32 v7, v6  }
0x222: {  	v6 =	vadd.s32 v8, v6  }
0x223: {  	v7 =	vadd.s32 v11, v6  }
0x224: {  	v6 =	vperm.xlane v7, v4;
	_ =	sdelay $0x1  }
0x225: {  	(xrf0) =	vadd.scan.msk.s32 $0xffff, v6;
	_ =	sdelay $0x5  }
0x226: {  	v8, _, _ =	vpop (xrf0)  }
0x227: {  	v9 =	vadd.s32 s17, v8  }
0x228: {  	vm2 =	vgt.s32 v9, $0x3F  }
0x229: {  	v9 =	vmctz.xlane vm2;
	_ =	sdelay $0x1  }
0x22a: {  	v9 =	vxor.u32 $0x80000000, v9  }
0x22b: {  	(xrf0) =	vmax.scan.msk.u32 $0xffff, v9;
	_ =	sdelay $0x5  }
0x22c: {  	v9, _, _ =	vpop (xrf0)  }
0x22d: {  	(v2sf) =	vpush v9, $0xF;
	_ =	sdelay $0xc  }
0x22e: {  	p2 =	por $0x0, $0x0  }
.Ltmp24:
0x22f: {  	_ = 	snop;
	(pc) =	sbr.rel @p2 .LBB2_41-.Ltmp24, $4  }
0x230: {  	s0 =	spop (v2sf)  }
0x231: {  	s22 =	simm.s32 $0x10960;
	s3 =	sxor.u32 $0x80000000, s0  }
0x232: {  	s28 =	simm.s32 $0x800000DF;
	p1 =	por $0x1, $0x1;
	s25 =	smov.u32 s17;
	v10 =	vld [tilespmem:s22+$0xFFFFF900];
	v11 =	vmov s3  }
0x233: {  	s21 =	simm.s32 $0x0;
	s23 =	simm.s32 $0x0;
	v9 =	vld [tilespmem:s22+$0xFFFFF800];
	s24 =	ssub.s32 $0x800000FF, s0;
	vm2 =	veq.s32 v11, v0  }
.LBB2_42:
0x234: {  	p2 =	seq.s32 s28, $0x8000000F;
	v11 =	vld [tilespmem:s22+$0xFFFFFA00];
	v8 =	vnsel vm2, $0x0, v8;
	(xrf0) =	vadd.scan.msk.s32 $0xffff, v7  }
0x235: {  	v6 =	vnsel vm2, $0x0, v6;
	v7 =	vld [tilespmem:s22+$0xFFFFFB00];
	(xrf0) =	vadd.scan.msk.s32 $0xffff, v8  }
0x236: {  	v8 =	vld [tilespmem:s22+$0xFFFFFC00];
	(xrf0) =	vadd.scan.msk.s32 $0xffff, v6  }
0x237: {  	v6 =	vld [tilespmem:s22+$0xFFFFFD00]  }
0x238: {  	v9 =	vadd.s32 v9, v10;
	v10 =	vld [tilespmem:s22+$0xFFFFFE00]  }
0x239: {  	v9 =	vadd.s32 v11, v9;
	v11 =	vld [tilespmem:s22+$0xFFFFFF00]  }
0x23a: {  	v7 =	vadd.s32 v7, v9;
	v9 =	vld [tilespmem:s22+$0x0];
	v12, _, _ =	vpop (xrf0)  }
0x23b: {  	v7 =	vadd.s32 v8, v7;
	v8 =	vld [tilespmem:s22+$0x100];
	(v2sf) =	vpush v12, $0xF;
	v12, _, _ =	vpop (xrf0)  }
0x23c: {  	v6 =	vadd.s32 v6, v7;
	v7 =	vld [tilespmem:s22+$0x200];
	v13, _, _ =	vpop (xrf0);
	(v2sf) =	vpush v12, $0xF  }
0x23d: {  	v6 =	vadd.s32 v10, v6;
	v10 =	vld [tilespmem:s22+$0x300];
	(v2sf) =	vpush v13, $0xF  }
0x23e: {  	v6 =	vadd.s32 v11, v6;
	v11 =	vld [tilespmem:s22+$0x400]  }
0x23f: {  	v6 =	vadd.s32 v9, v6;
	v9 =	vld [tilespmem:s22+$0x500]  }
0x240: {  	v6 =	vadd.s32 v8, v6;
	v8 =	vld [tilespmem:s22+$0x600]  }
0x241: {  	v6 =	vadd.s32 v7, v6;
	v7 =	vld [tilespmem:s22+$0x700]  }
0x242: {  	v6 =	vadd.s32 v10, v6  }
0x243: {  	v6 =	vadd.s32 v11, v6  }
0x244: {  	v6 =	vadd.s32 v9, v6  }
0x245: {  	v6 =	vadd.s32 v8, v6  }
0x246: {  	v7 =	vadd.s32 v7, v6  }
0x247: {  	v6 =	vperm.xlane v7, v4;
	_ =	sdelay $0x1  }
0x248: {  	(xrf0) =	vadd.scan.msk.s32 $0xffff, v6  }
0x249: {  	s0 =	spop (v2sf)  }
0x24a: {  	s3 =	spop (v2sf)  }
0x24b: {  	s0 =	sadd.s32 s25, s0;
	s3 =	sadd.s32 s25, s3;
	s8 =	spop (v2sf)  }
0x24c: {  	p3 =	sgt.s32 s0, $0x3F;
	s3 =	ssub.s32 s3, s8  }
0x24d: {  	p4 =	seq.s32 s21, $0x0;
	s0 =	smov.u32 @p3 s3  }
0x24e: {  	p3 =	por !p4, !p3;
	v8, _, _ =	vpop (xrf0);
	s25 =	smov.u32 @p4 s0  }
0x24f: {  	p3 =	por !p3, !p3;
	v9 =	vadd.s32 s25, v8  }
0x250: {  	s21 =	simm.s32 @p3 $0x1;
	s23 =	smov.u32 @p3 s24;
	vm2 =	vgt.s32 v9, $0x3F  }
0x251: {  	v9 =	vmctz.xlane vm2;
	_ =	sdelay $0x1  }
0x252: {  	v9 =	vxor.u32 $0x80000000, v9  }
0x253: {  	(xrf0) =	vmax.scan.msk.u32 $0xffff, v9;
	_ =	sdelay $0x5  }
0x254: {  	v9, _, _ =	vpop (xrf0)  }
0x255: {  	(v2sf) =	vpush v9, $0xF;
	_ =	sdelay $0xd  }
.Ltmp25:
0x256: {  	(pc) =	sbr.rel @!p2 .LBB2_42-.Ltmp25, $4  }
0x257: {  	s0 =	spop (v2sf)  }
0x258: {  	s22 =	sadd.s32 $0xFFFFFFF0, s22;
	s3 =	sxor.u32 $0x80000000, s0;
	s24 =	ssub.s32 s26, s0  }
0x259: {  	s26 =	smov.u32 s28;
	v9 =	vld [tilespmem:s22+$0xFFFFF800];
	v11 =	vmov s3  }
0x25a: {  	s28 =	sadd.s32 $0xFFFFFFF0, s28;
	v10 =	vld [tilespmem:s22+$0xFFFFF900];
	vm2 =	veq.s32 v11, v0  }
0x25b: {  	s28 =	smov.u32 s26  }
.LBB2_44:
0x25c: {  	v8 =	vnsel @p1 vm2, $0x0, v8;
	(xrf0) =	vadd.scan.msk.s32 @p1 $0xffff, v7  }
0x25d: {  	v7 =	vld [tilespmem:s22+$0xFFFFFA00];
	v6 =	vnsel @p1 vm2, $0x0, v6;
	(xrf0) =	vadd.scan.msk.s32 @p1 $0xffff, v8  }
0x25e: {  	v52 =	vld [tilespmem:s22+$0xFFFFFB00];
	(xrf0) =	vadd.scan.msk.s32 @p1 $0xffff, v6  }
0x25f: {  	v6 =	vld [tilespmem:s22+$0xFFFFFC00]  }
0x260: {  	v11 =	vld [tilespmem:s22+$0xFFFFFD00]  }
0x261: {  	v53 =	vld [tilespmem:s22+$0xFFFFFE00];
	v9 =	vadd.s32 v9, v10  }
0x262: {  	v54 =	vld [tilespmem:s22+$0xFFFFFF00];
	v7 =	vadd.s32 v7, v9;
	v12, _, _ =	vpop @p1 (xrf0)  }
0x263: {  	v55 =	vld [tilespmem:s22+$0x0];
	v7 =	vadd.s32 v52, v7;
	(v2sf) =	vpush @p1 v12, $0xF;
	v12, _, _ =	vpop @p1 (xrf0)  }
0x264: {  	v6 =	vadd.s32 v6, v7;
	v7 =	vld [tilespmem:s22+$0x100];
	v13, _, _ =	vpop @p1 (xrf0);
	(v2sf) =	vpush @p1 v12, $0xF  }
0x265: {  	v56 =	vld [tilespmem:s22+$0x200];
	v6 =	vadd.s32 v11, v6;
	(v2sf) =	vpush @p1 v13, $0xF  }
0x266: {  	v57 =	vld [tilespmem:s22+$0x300];
	v6 =	vadd.s32 v53, v6  }
0x267: {  	v58 =	vld [tilespmem:s22+$0x400];
	v6 =	vadd.s32 v54, v6  }
0x268: {  	v59 =	vld [tilespmem:s22+$0x500];
	v6 =	vadd.s32 v55, v6  }
0x269: {  	v6 =	vadd.s32 v7, v6;
	v7 =	vld [tilespmem:s22+$0x600]  }
0x26a: {  	v60 =	vld [tilespmem:s22+$0x700];
	v6 =	vadd.s32 v56, v6  }
0x26b: {  	v6 =	vadd.s32 v57, v6  }
0x26c: {  	v6 =	vadd.s32 v58, v6  }
0x26d: {  	v6 =	vadd.s32 v59, v6  }
0x26e: {  	v6 =	vadd.s32 v7, v6  }
0x26f: {  	v6 =	vadd.s32 v60, v6  }
0x270: {  	v7 =	vperm.xlane v6, v4;
	_ =	sdelay $0x1  }
0x271: {  	(xrf0) =	vadd.scan.msk.s32 $0xffff, v7;
	s0 =	spop @p1 (v2sf)  }
0x272: {  	s3 =	spop @p1 (v2sf);
	s0 =	sadd.s32 @p1 s25, s0  }
0x273: {  	s3 =	sadd.s32 @p1 s25, s3;
	s8 =	spop @p1 (v2sf);
	p2 =	sgt.s32 @p1 s0, $0x3F  }
0x274: {  	p3 =	seq.s32 @p1 s21, $0x0;
	s3 =	ssub.s32 @p1 s3, s8;
	p4 =	por !p2, !p1  }
0x275: {  	s3 =	smov.u32 @p4 s0;
	p4 =	por !p3, !p1  }
0x276: {  	s3 =	smov.u32 @p4 s25  }
0x277: {  	v61, _, _ =	vpop (xrf0);
	s17 =	smov.u32 @p1 s3  }
0x278: {  	v62 =	vadd.s32 s17, v61  }
0x279: {  	vm2 =	vgt.s32 v62, $0x3F  }
0x27a: {  	v9 =	vmctz.xlane vm2;
	_ =	sdelay $0x1  }
0x27b: {  	v9 =	vxor.u32 $0x80000000, v9  }
0x27c: {  	(xrf0) =	vmax.scan.msk.u32 $0xffff, v9;
	_ =	sdelay $0x5  }
0x27d: {  	v9, _, _ =	vpop (xrf0)  }
0x27e: {  	(v2sf) =	vpush v9, $0xF;
	_ =	sdelay $0xe  }
0x27f: {  	s14 =	spop (v2sf)  }
0x280: {  	(xrf0) =	vadd.scan.msk.s32 $0xffff, v6;
	s25 =	sxor.u32 $0x80000000, s14  }
0x281: {  	v63 =	vmov s25  }
0x282: {  	vm2 =	veq.s32 v63, v0  }
0x283: {  	v6 =	vnsel vm2, $0x0, v7  }
0x284: {  	v8 =	vnsel vm2, $0x0, v61  }
0x285: {  	(xrf0) =	vadd.scan.msk.s32 $0xffff, v8  }
0x286: {  	(xrf0) =	vadd.scan.msk.s32 $0xffff, v6;
	v6, _, _ =	vpop (xrf0)  }
0x287: {  	(v2sf) =	vpush v6, $0xF;
	_ =	sdelay $0x6  }
0x288: {  	v6, _, _ =	vpop (xrf0)  }
0x289: {  	(v2sf) =	vpush v6, $0xF;
	v6, _, _ =	vpop (xrf0)  }
0x28a: {  	(v2sf) =	vpush v6, $0xF;
	_ =	sdelay $0x2  }
0x28b: {  	p2 =	por @p1 !p3, !p2  }
0x28c: {  	p2 =	por @p1 !p2, !p2  }
0x28d: {  	p2 =	por !p2, !p1  }
0x28e: {  	s8 =	simm.s32 $0x0;
	s21 =	simm.s32 @!p2 $0x1;
	s26 =	spop (v2sf)  }
0x28f: {  	s8 =	smov.u32 @p1 s21;
	s3 =	sadd.s32 s17, s26  }
0x290: {  	s24 =	smov.u32 @p2 s23;
	p3 =	seq.s32 s8, $0x0;
	p2 =	sgt.s32 s3, $0x3F  }
0x291: {  	p6 =	por !p3, !p2  }
0x292: {  	s20 =	smov.u32 @p1 s24;
	s0 =	ssub.s32 s28, s14;
	p1 =	por !p6, !p6  }
0x293: {  	s20 =	smov.u32 @p1 s0;
	s0 =	simm.s32 $0x100C0  }
0x294: {  	[tilespmem:s0+$0xFFFFFFC0] =	vst v1  }
0x295: {  	[tilespmem:s0+$0x30] =	vst v1  }
0x296: {  	s29 =	spop (v2sf);
	[tilespmem:s0+$0x20] =	vst v1  }
0x297: {  	s30 =	sadd.s32 s17, s29;
	s31 =	spop (v2sf);
	[tilespmem:s0+$0x10] =	vst v1  }
0x298: {  	s8 =	ssub.s32 s30, s31;
	[tilespmem:s0+$0x0] =	vst v1  }
0x299: {  	[tilespmem:s0+$0xFFFFFFF0] =	vst v1;
	s3 =	smov.u32 @p2 s8  }
0x29a: {  	[tilespmem:s0+$0xFFFFFFE0] =	vst v1;
	s17 =	smov.u32 @p3 s3;
	s3 =	simm.s32 $0x0  }
.LBB2_45:
0x29b: {  	s3 =	sadd.s32 $0x8, s3;
	[tilespmem:s0+$0xFFFFFFD0] =	vst v1;
	s0 =	sadd.s32 $0x80, s0  }
0x29c: {  	[tilespmem:s0+$0xFFFFFFC0] =	vst v1;
	p1 =	slt.u32 s3, $0xF8  }
0x29d: {  	[tilespmem:s0+$0x30] =	vst v1  }
.Ltmp26:
0x29e: {  	[tilespmem:s0+$0x20] =	vst v1;
	(pc) =	sbr.rel @p1 .LBB2_45-.Ltmp26, $4  }
0x29f: {  	[tilespmem:s0+$0x10] =	vst v1  }
0x2a0: {  	[tilespmem:s0+$0x0] =	vst v1  }
0x2a1: {  	[tilespmem:s0+$0xFFFFFFF0] =	vst v1  }
0x2a2: {  	[tilespmem:s0+$0xFFFFFFE0] =	vst v1  }
.Ltmp27:
0x2a3: {  	(pc) =	sbr.rel @p0 .LBB2_53-.Ltmp27, $3  }
0x2a4: {  	_ =	sdelay $0x1  }
0x2a5: {  	s31 =	sshll.u32 s18, $0x8  }
0x2a6: {  	[tilespmem:s0+$0xFFFFFFD0] =	vst v1;
	s18 =	sadd.s32 s31, s20  }
0x2a7: {  	p1 =	sne.s32 s19, $0x1  }
.Ltmp28:
0x2a8: {  	_ = 	snop;
	(pc) =	sbr.rel @!p1 .LBB2_48-.Ltmp28, $3  }
0x2a9: {  	_ =	sdelay $0x1  }
0x2aa: {  	s3 =	simm.s32 $0x8000  }
0x2ab: {  	v6 =	vmov s18;
	s0 =	simm.s32 $0x0;
	p0 =	por $0x0, $0x0;
	v7 =	vld [tilespmem:s3+$0x0];
	s3 =	sadd.s32 $0xFFFFFFFF, s19  }
0x2ac: {  	_ =	sdelay $0x3  }
0x2ad: {  	v8 =	vor.u32 s0, v0;
	v9 =	vshrl.u32 v7, $0x8  }
0x2ae: {  	vm2 =	vlt.s32 v8, v5;
	vm3 =	veq.s32 v9, v6  }
0x2af: {  	v7 =	vand.u32 $0xFF, v7;
	vm2 =	vmand vm2, vm3  }
0x2b0: {  	v7 =	vor.u32 v2, v7  }
0x2b1: {  	p1 =	sne.s32 s3, $0x1  }
.Ltmp29:
0x2b2: {  	_ = 	snop;
	(pc) =	sbr.rel @!p1 .LBB2_50-.Ltmp29, $3  }
0x2b3: {  	_ =	sdelay $0x1  }
0x2b4: {  	s8 =	simm.s32 $0x8010;
	[tilespmem:v7+s12+$0x0] =	vst.idx.add.s32.msk vm2, v3  }
0x2b5: {  	s19 =	sadd.s32 $0xFFFFFFFF, s3;
	p0 =	por $0x1, $0x1;
	s3 =	simm.s32 $0x0;
	v7 =	vld [tilespmem:s8+$0x0]  }
.LBB2_51:
0x2b6: {  	p1 =	sne.s32 s19, $0x1;
	_ =	sdelay $0x2  }
0x2b7: {  	s3 =	sadd.s32 $0x10, s3  }
0x2b8: {  	v8 =	vor.u32 s3, v0;
	v9 =	vshrl.u32 v7, $0x8  }
0x2b9: {  	vm2 =	vlt.s32 v8, v5;
	vm3 =	veq.s32 v9, v6  }
0x2ba: {  	v7 =	vand.u32 $0xFF, v7;
	vm2 =	vmand vm2, vm3  }
0x2bb: {  	v7 =	vor.u32 v2, v7;
	_ =	sdelay $0x1  }
.Ltmp30:
0x2bc: {  	(pc) =	sbr.rel @p1 .LBB2_51-.Ltmp30, $3  }
0x2bd: {  	_ =	sdelay $0x1  }
0x2be: {  	s8 =	sadd.s32 $0x10, s8;
	[tilespmem:v7+s12+$0x0] =	vst.idx.add.s32.msk vm2, v3  }
0x2bf: {  	s19 =	sadd.s32 $0xFFFFFFFF, s19;
	v7 =	vld [tilespmem:s8+$0x0]  }
.LBB2_52:
0x2c0: {  	_ =	sdelay $0x1  }
0x2c1: {  	s3 =	sadd.s32 @p0 $0x10, s3  }
0x2c2: {  	s0 =	smov.u32 @p0 s3  }
0x2c3: {  	v8 =	vor.u32 s0, v0;
	v9 =	vshrl.u32 v7, $0x8  }
0x2c4: {  	vm2 =	vlt.s32 v8, v5;
	vm3 =	veq.s32 v9, v6  }
0x2c5: {  	v5 =	vand.u32 $0xFF, v7;
	vm2 =	vmand vm2, vm3  }
0x2c6: {  	v5 =	vor.u32 v2, v5;
	_ =	sdelay $0x4  }
0x2c7: {  	[tilespmem:v5+s12+$0x0] =	vst.idx.add.s32.msk vm2, v3  }
.LBB2_53:
0x2c8: {  	s0 =	simm.s32 $0x10970  }
0x2c9: {  	v5 =	vld [tilespmem:s0+$0xFFFFF800]  }
0x2ca: {  	v6 =	vld [tilespmem:s0+$0xFFFFF900]  }
0x2cb: {  	v7 =	vld [tilespmem:s0+$0xFFFFFA00]  }
0x2cc: {  	v8 =	vld [tilespmem:s0+$0xFFFFFB00]  }
0x2cd: {  	v9 =	vld [tilespmem:s0+$0xFFFFFC00]  }
0x2ce: {  	v10 =	vld [tilespmem:s0+$0xFFFFFD00]  }
0x2cf: {  	v5 =	vadd.s32 v5, v6;
	v6 =	vld [tilespmem:s0+$0xFFFFFE00]  }
0x2d0: {  	v5 =	vadd.s32 v7, v5;
	v7 =	vld [tilespmem:s0+$0xFFFFFF00]  }
0x2d1: {  	v5 =	vadd.s32 v8, v5;
	v8 =	vld [tilespmem:s0+$0x0]  }
0x2d2: {  	v5 =	vadd.s32 v9, v5;
	v9 =	vld [tilespmem:s0+$0x100]  }
0x2d3: {  	v5 =	vadd.s32 v10, v5;
	v10 =	vld [tilespmem:s0+$0x200]  }
0x2d4: {  	v5 =	vadd.s32 v6, v5;
	v6 =	vld [tilespmem:s0+$0x300]  }
0x2d5: {  	v5 =	vadd.s32 v7, v5;
	v7 =	vld [tilespmem:s0+$0x400]  }
0x2d6: {  	v5 =	vadd.s32 v8, v5;
	v8 =	vld [tilespmem:s0+$0x500]  }
0x2d7: {  	v5 =	vadd.s32 v9, v5;
	v9 =	vld [tilespmem:s0+$0x600]  }
0x2d8: {  	v5 =	vadd.s32 v10, v5;
	v10 =	vld [tilespmem:s0+$0x700]  }
0x2d9: {  	v5 =	vadd.s32 v6, v5  }
0x2da: {  	v5 =	vadd.s32 v7, v5  }
0x2db: {  	v5 =	vadd.s32 v8, v5  }
0x2dc: {  	v5 =	vadd.s32 v9, v5  }
0x2dd: {  	v6 =	vadd.s32 v10, v5  }
0x2de: {  	v5 =	vperm.xlane v6, v4;
	_ =	sdelay $0x1  }
0x2df: {  	(xrf0) =	vadd.scan.msk.s32 $0xffff, v5;
	_ =	sdelay $0x5  }
0x2e0: {  	v7, _, _ =	vpop (xrf0)  }
0x2e1: {  	v8 =	vadd.s32 s17, v7  }
0x2e2: {  	vm2 =	vgt.s32 v8, $0x3F  }
0x2e3: {  	v8 =	vmctz.xlane vm2;
	_ =	sdelay $0x1  }
0x2e4: {  	v8 =	vxor.u32 $0x80000000, v8  }
0x2e5: {  	(xrf0) =	vmax.scan.msk.u32 $0xffff, v8;
	_ =	sdelay $0x5  }
0x2e6: {  	v8, _, _ =	vpop (xrf0)  }
0x2e7: {  	(v2sf) =	vpush v8, $0xF;
	_ =	sdelay $0xe  }
0x2e8: {  	s31 =	spop (v2sf)  }
0x2e9: {  	s24 =	simm.s32 $0x10960;
	s3 =	sxor.u32 $0x80000000, s31  }
0x2ea: {  	s22 =	simm.s32 $0x0;
	s21 =	simm.s32 $0x800000EF;
	s25 =	simm.s32 $0x800000DF;
	v9 =	vld [tilespmem:s24+$0xFFFFF900];
	v10 =	vmov s3  }
0x2eb: {  	s19 =	simm.s32 $0x0;
	s20 =	simm.s32 $0x0;
	v8 =	vld [tilespmem:s24+$0xFFFFF800];
	s23 =	ssub.s32 $0x800000FF, s31;
	vm2 =	veq.s32 v10, v0  }
.LBB2_54:
0x2ec: {  	p0 =	sne.s32 s25, $0x8000000F;
	v10 =	vld [tilespmem:s24+$0xFFFFFA00];
	v7 =	vnsel vm2, $0x0, v7;
	(xrf0) =	vadd.scan.msk.s32 $0xffff, v6  }
0x2ed: {  	v5 =	vnsel vm2, $0x0, v5;
	v6 =	vld [tilespmem:s24+$0xFFFFFB00];
	(xrf0) =	vadd.scan.msk.s32 $0xffff, v7  }
0x2ee: {  	v7 =	vld [tilespmem:s24+$0xFFFFFC00];
	(xrf0) =	vadd.scan.msk.s32 $0xffff, v5  }
0x2ef: {  	v5 =	vld [tilespmem:s24+$0xFFFFFD00]  }
0x2f0: {  	v8 =	vadd.s32 v8, v9;
	v9 =	vld [tilespmem:s24+$0xFFFFFE00]  }
0x2f1: {  	v8 =	vadd.s32 v10, v8;
	v10 =	vld [tilespmem:s24+$0xFFFFFF00]  }
0x2f2: {  	v6 =	vadd.s32 v6, v8;
	v8 =	vld [tilespmem:s24+$0x0];
	v11, _, _ =	vpop (xrf0)  }
0x2f3: {  	v6 =	vadd.s32 v7, v6;
	v7 =	vld [tilespmem:s24+$0x100];
	(v2sf) =	vpush v11, $0xF;
	v11, _, _ =	vpop (xrf0)  }
0x2f4: {  	v5 =	vadd.s32 v5, v6;
	v6 =	vld [tilespmem:s24+$0x200];
	v12, _, _ =	vpop (xrf0);
	(v2sf) =	vpush v11, $0xF  }
0x2f5: {  	v5 =	vadd.s32 v9, v5;
	v9 =	vld [tilespmem:s24+$0x300];
	(v2sf) =	vpush v12, $0xF  }
0x2f6: {  	v5 =	vadd.s32 v10, v5;
	v10 =	vld [tilespmem:s24+$0x400]  }
0x2f7: {  	v5 =	vadd.s32 v8, v5;
	v8 =	vld [tilespmem:s24+$0x500]  }
0x2f8: {  	v5 =	vadd.s32 v7, v5;
	v7 =	vld [tilespmem:s24+$0x600]  }
0x2f9: {  	v5 =	vadd.s32 v6, v5;
	v6 =	vld [tilespmem:s24+$0x700]  }
0x2fa: {  	v5 =	vadd.s32 v9, v5  }
0x2fb: {  	v5 =	vadd.s32 v10, v5  }
0x2fc: {  	v5 =	vadd.s32 v8, v5  }
0x2fd: {  	v5 =	vadd.s32 v7, v5  }
0x2fe: {  	v6 =	vadd.s32 v6, v5  }
0x2ff: {  	v5 =	vperm.xlane v6, v4;
	_ =	sdelay $0x1  }
0x300: {  	(xrf0) =	vadd.scan.msk.s32 $0xffff, v5  }
0x301: {  	s0 =	spop (v2sf)  }
0x302: {  	s3 =	spop (v2sf)  }
0x303: {  	s0 =	sadd.s32 s17, s0;
	s3 =	sadd.s32 s17, s3;
	s8 =	spop (v2sf)  }
0x304: {  	p1 =	sgt.s32 s0, $0x3F;
	s3 =	ssub.s32 s3, s8  }
0x305: {  	p2 =	seq.s32 s22, $0x0;
	s0 =	smov.u32 @p1 s3  }
0x306: {  	p1 =	por !p2, !p1;
	v7, _, _ =	vpop (xrf0);
	s17 =	smov.u32 @p2 s0  }
0x307: {  	p1 =	por !p1, !p1;
	v8 =	vadd.s32 s17, v7  }
0x308: {  	s22 =	simm.s32 @p1 $0x1;
	s19 =	smov.u32 @p1 s8;
	vm2 =	vgt.s32 v8, $0x3F  }
0x309: {  	s20 =	smov.u32 @p1 s23;
	v8 =	vmctz.xlane vm2;
	_ =	sdelay $0x1  }
0x30a: {  	v8 =	vxor.u32 $0x80000000, v8  }
0x30b: {  	(xrf0) =	vmax.scan.msk.u32 $0xffff, v8;
	_ =	sdelay $0x5  }
0x30c: {  	v8, _, _ =	vpop (xrf0)  }
0x30d: {  	(v2sf) =	vpush v8, $0xF;
	_ =	sdelay $0xd  }
.Ltmp31:
0x30e: {  	(pc) =	sbr.rel @p0 .LBB2_54-.Ltmp31, $4  }
0x30f: {  	s0 =	spop (v2sf)  }
0x310: {  	s24 =	sadd.s32 $0xFFFFFFF0, s24;
	s3 =	sxor.u32 $0x80000000, s0;
	s23 =	ssub.s32 s21, s0  }
0x311: {  	s21 =	smov.u32 s25;
	v8 =	vld [tilespmem:s24+$0xFFFFF800];
	v10 =	vmov s3  }
0x312: {  	s25 =	sadd.s32 $0xFFFFFFF0, s25;
	v9 =	vld [tilespmem:s24+$0xFFFFF900];
	vm2 =	veq.s32 v10, v0  }
0x313: {  	v10 =	vld [tilespmem:s24+$0xFFFFFA00];
	v7 =	vnsel vm2, $0x0, v7;
	(xrf0) =	vadd.scan.msk.s32 $0xffff, v6  }
0x314: {  	v6 =	vld [tilespmem:s24+$0xFFFFFB00];
	v5 =	vnsel vm2, $0x0, v5;
	(xrf0) =	vadd.scan.msk.s32 $0xffff, v7  }
0x315: {  	v7 =	vld [tilespmem:s24+$0xFFFFFC00];
	(xrf0) =	vadd.scan.msk.s32 $0xffff, v5  }
0x316: {  	v5 =	vld [tilespmem:s24+$0xFFFFFD00]  }
0x317: {  	v55 =	vld [tilespmem:s24+$0xFFFFFE00];
	v8 =	vadd.s32 v8, v9  }
0x318: {  	v56 =	vld [tilespmem:s24+$0xFFFFFF00];
	v8 =	vadd.s32 v10, v8  }
0x319: {  	v57 =	vld [tilespmem:s24+$0x0];
	v6 =	vadd.s32 v6, v8;
	v11, _, _ =	vpop (xrf0)  }
0x31a: {  	v6 =	vadd.s32 v7, v6;
	v7 =	vld [tilespmem:s24+$0x100];
	(v2sf) =	vpush v11, $0xF;
	v58, _, _ =	vpop (xrf0)  }
0x31b: {  	v5 =	vadd.s32 v5, v6;
	v6 =	vld [tilespmem:s24+$0x200];
	v12, _, _ =	vpop (xrf0);
	(v2sf) =	vpush v58, $0xF  }
0x31c: {  	v59 =	vld [tilespmem:s24+$0x300];
	v5 =	vadd.s32 v55, v5;
	(v2sf) =	vpush v12, $0xF  }
0x31d: {  	v60 =	vld [tilespmem:s24+$0x400];
	v5 =	vadd.s32 v56, v5  }
0x31e: {  	v61 =	vld [tilespmem:s24+$0x500];
	v5 =	vadd.s32 v57, v5  }
0x31f: {  	v5 =	vadd.s32 v7, v5;
	v7 =	vld [tilespmem:s24+$0x600]  }
0x320: {  	v5 =	vadd.s32 v6, v5;
	v6 =	vld [tilespmem:s24+$0x700]  }
0x321: {  	v5 =	vadd.s32 v59, v5  }
0x322: {  	v5 =	vadd.s32 v60, v5  }
0x323: {  	v5 =	vadd.s32 v61, v5  }
0x324: {  	v5 =	vadd.s32 v7, v5  }
0x325: {  	v5 =	vadd.s32 v6, v5  }
0x326: {  	v6 =	vperm.xlane v5, v4;
	_ =	sdelay $0x1  }
0x327: {  	(xrf0) =	vadd.scan.msk.s32 $0xffff, v6  }
0x328: {  	s0 =	spop (v2sf)  }
0x329: {  	s3 =	spop (v2sf)  }
0x32a: {  	s0 =	sadd.s32 s17, s0;
	s3 =	sadd.s32 s17, s3;
	s8 =	spop (v2sf)  }
0x32b: {  	p0 =	sgt.s32 s0, $0x3F;
	s3 =	ssub.s32 s3, s8  }
0x32c: {  	p1 =	seq.s32 s22, $0x0;
	s0 =	smov.u32 @p0 s3  }
0x32d: {  	v7, _, _ =	vpop (xrf0);
	s17 =	smov.u32 @p1 s0  }
0x32e: {  	v62 =	vadd.s32 s17, v7  }
0x32f: {  	vm2 =	vgt.s32 v62, $0x3F  }
0x330: {  	v8 =	vmctz.xlane vm2;
	_ =	sdelay $0x1  }
0x331: {  	v8 =	vxor.u32 $0x80000000, v8  }
0x332: {  	(xrf0) =	vmax.scan.msk.u32 $0xffff, v8;
	_ =	sdelay $0x5  }
0x333: {  	v8, _, _ =	vpop (xrf0)  }
0x334: {  	(v2sf) =	vpush v8, $0xF;
	_ =	sdelay $0xe  }
0x335: {  	s26 =	spop (v2sf)  }
0x336: {  	s28 =	sxor.u32 $0x80000000, s26  }
0x337: {  	v63 =	vmov s28  }
0x338: {  	vm2 =	veq.s32 v63, v0  }
0x339: {  	(xrf0) =	vadd.scan.msk.s32 $0xffff, v5;
	v7 =	vnsel vm2, $0x0, v7  }
0x33a: {  	v5 =	vnsel vm2, $0x0, v6;
	(xrf0) =	vadd.scan.msk.s32 $0xffff, v7  }
0x33b: {  	(xrf0) =	vadd.scan.msk.s32 $0xffff, v5;
	_ =	sdelay $0x3  }
0x33c: {  	v5, _, _ =	vpop (xrf0)  }
0x33d: {  	(v2sf) =	vpush v5, $0xF;
	v5, _, _ =	vpop (xrf0)  }
0x33e: {  	(v2sf) =	vpush v5, $0xF;
	v5, _, _ =	vpop (xrf0)  }
0x33f: {  	(v2sf) =	vpush v5, $0xF;
	_ =	sdelay $0xa  }
0x340: {  	p0 =	por !p1, !p0  }
0x341: {  	p0 =	por !p0, !p0  }
0x342: {  	s22 =	simm.s32 @p0 $0x1;
	s29 =	spop (v2sf)  }
0x343: {  	p1 =	seq.s32 s22, $0x0;
	s30 =	spop (v2sf)  }
0x344: {  	s3 =	sadd.s32 s17, s29;
	s24 =	sadd.s32 s17, s30;
	s22 =	spop (v2sf)  }
0x345: {  	s19 =	smov.u32 @p0 s8;
	p2 =	sgt.s32 s3, $0x3F;
	s8 =	ssub.s32 s24, s22  }
0x346: {  	s31 =	sshll.u32 s18, $0x8;
	p3 =	por !p1, !p2;
	s3 =	smov.u32 @p2 s8  }
0x347: {  	s20 =	smov.u32 @p0 s23;
	p0 =	por !p3, !p3;
	s17 =	smov.u32 @p1 s3  }
0x348: {  	s0 =	ssub.s32 s21, s26;
	s19 =	smov.u32 @p0 s22;
	s18 =	ssub.s32 $0x40, s17  }
0x349: {  	s20 =	smov.u32 @p0 s0;
	p0 =	seq.s32 s19, s18  }
.Ltmp32:
0x34a: {  	_ = 	snop;
	(pc) =	sbr.rel @p0 .LBB2_59-.Ltmp32, $3  }
0x34b: {  	_ =	sdelay $0x1  }
0x34c: {  	s0 =	sadd.s32 s31, s20  }
0x34d: {  	s20 =	simm.s32 $0x7FFF;
	s17 =	sxor.u32 $0x80000000, s0  }
0x34e: {  	s19 =	simm.s32 $0x0  }
0x34f: {  	v5 =	vld [tilespmem:s19+$0x0];
	_ =	sdelay $0x3  }
0x350: {  	v6 =	vmov s17  }
0x351: {  	v5 =	vxor.u32 v6, v5  }
0x352: {  	vm3 =	veq.s32 v5, $0x80000000  }
0x353: {  	s0 =	simm.s32 $0x10;
	v5 =	vsel vm3, $0x1, v1  }
0x354: {  	v7 =	vld [tilespmem:s0+$0x0];
	(xrf0) =	vadd.scan.msk.s32 $0xffff, v5;
	_ =	sdelay $0x4  }
0x355: {  	v5 =	vxor.u32 v6, v7  }
0x356: {  	vm4 =	veq.s32 v5, $0x80000000;
	v7, _, _ =	vpop (xrf0)  }
0x357: {  	v5 =	vsel vm4, $0x1, v1;
	(v2sf) =	vpush v7, $0xF  }
0x358: {  	s23 =	simm.s32 $0x20;
	(xrf0) =	vadd.scan.msk.s32 $0xffff, v5  }
0x359: {  	v8 =	vld [tilespmem:s23+$0x0];
	_ =	sdelay $0x4  }
0x35a: {  	v5 =	vxor.u32 v6, v8;
	v8, _, _ =	vpop (xrf0)  }
0x35b: {  	(v2sf) =	vpush v8, $0xF;
	_ =	sdelay $0x2  }
0x35c: {  	vm2 =	veq.s32 v5, $0x80000000  }
0x35d: {  	v5 =	vsel vm2, $0x1, v1  }
0x35e: {  	s24 =	simm.s32 $0x30;
	(xrf0) =	vadd.scan.msk.s32 $0xffff, v5  }
0x35f: {  	v9 =	vld [tilespmem:s24+$0x0];
	vm3 =	vmmov vm3;
	v5 =	vmov s18;
	v7 =	vadd.s32 s19, v7  }
0x360: {  	vm3 =	vmmov vm3;
	vm5 =	veq.s32 v7, v5;
	s25 =	spop (v2sf)  }
0x361: {  	s3 =	simm.s32 $0x40;
	vm3 =	vmand vm3, vm5;
	s0 =	sadd.s32 $0x0, s25  }
0x362: {  	vm4 =	vmmov vm4;
	v7 =	vld [tilespmem:s3+$0x0];
	v11 =	vmctz.xlane vm3;
	v8 =	vadd.s32 s0, v8  }
0x363: {  	vm5 =	vmmov vm4;
	vm3 =	veq.s32 v8, v5  }
0x364: {  	v10, _, _ =	vpop (xrf0);
	v8 =	vxor.u32 v6, v9;
	v9 =	vxor.u32 $0x80000000, v11;
	vm3 =	vmand vm5, vm3  }
0x365: {  	(v2sf) =	vpush v10, $0xF;
	vm4 =	veq.s32 v8, $0x80000000;
	(xrf0) =	vmax.scan.msk.u32 $0xffff, v9;
	v9 =	vmctz.xlane vm3  }
0x366: {  	v8 =	vsel vm4, $0x1, v1  }
0x367: {  	v7 =	vxor.u32 v6, v7;
	(xrf0) =	vadd.scan.msk.s32 $0xffff, v8;
	v8 =	vxor.u32 $0x80000000, v9  }
0x368: {  	s26 =	spop (v2sf);
	vm3 =	veq.s32 v7, $0x80000000;
	(xrf0) =	vmax.scan.msk.u32 $0xffff, v8  }
0x369: {  	s31 =	sadd.s32 s0, s26;
	v7 =	vsel vm3, $0x1, v1  }
0x36a: {  	(xrf0) =	vadd.scan.msk.s32 $0xffff, v7;
	v7 =	vadd.s32 s31, v10  }
0x36b: {  	s30 =	simm.s32 $0x50  }
0x36c: {  	v8 =	vld [tilespmem:s30+$0x0];
	v9, _, _ =	vpop (xrf0)  }
0x36d: {  	p0 =	por $0x1, $0x1;
	p1 =	sge.s32 s0, s18;
	vm5 =	veq.s32 v7, v5;
	(v2sf) =	vpush v9, $0xF;
	v7, _, _ =	vpop (xrf0)  }
0x36e: {  	s13 =	smov.u32 s1;
	s20 =	simm.s32 $0x7FFF;
	vm2 =	vmmov vm2;
	p0 =	por !p0, !p1;
	(v2sf) =	vpush v7, $0xF;
	v10, _, _ =	vpop (xrf0)  }
0x36f: {  	s29 =	simm.s32 $0x80000000;
	s28 =	simm.s32 $0x80000010;
	vm2 =	vmmov vm2;
	p0 =	por !p0, !p0;
	(v2sf) =	vpush v10, $0xF  }
0x370: {  	s21 =	simm.s32 $0x80000060;
	s22 =	simm.s32 $0x80000070;
	s19 =	simm.s32 @p0 $0x1;
	vm2 =	vmand vm2, vm5  }
0x371: {  	s24 =	simm.s32 $0x80000030;
	p2 =	sge.s32 s31, s18;
	p6 =	seq.s32 s19, $0x0;
	v9 =	vmctz.xlane vm2;
	v8 =	vxor.u32 v6, v8  }
0x372: {  	s23 =	simm.s32 $0x80000050;
	s25 =	simm.s32 $0x80000040;
	p1 =	por !p6, !p2  }
0x373: {  	s26 =	simm.s32 $0x80000020;
	s0 =	simm.s32 $0x80000080;
	p1 =	por !p1, !p1;
	vm2 =	vmmov vm4;
	v9 =	vxor.u32 $0x80000000, v9  }
0x374: {  	p0 =	por p0, p0;
	s3 =	spop (v2sf);
	s19 =	simm.s32 @p1 $0x1;
	vm4 =	vmmov vm2;
	vm2 =	vmmov vm3;
	vm3 =	veq.s32 v8, $0x80000000;
	(xrf0) =	vmax.scan.msk.u32 $0xffff, v9;
	v8, _, _ =	vpop (xrf0)  }
.LBB2_57:
0x375: {  	p2 =	sne.s32 s0, $0x80007FF0;
	s30 =	sadd.s32 $0x10, s30  }
0x376: {  	s31 =	sadd.s32 s31, s3;
	s3 =	smov.u32 s26;
	s26 =	smov.u32 s24  }
0x377: {  	v9 =	vsel vm3, $0x1, v1;
	(v2sf) =	vpush v8, $0xF;
	s24 =	smov.u32 s25;
	p3 =	por p0, p0;
	p0 =	por p1, p1  }
0x378: {  	p1 =	seq.s32 s19, $0x0;
	s25 =	smov.u32 s23;
	v10 =	vld [tilespmem:s30+$0x0];
	(xrf0) =	vadd.scan.msk.s32 $0xffff, v9;
	v9 =	vadd.s32 s31, v7;
	p4 =	sge.s32 s31, s18;
	v7 =	vmov v8  }
0x379: {  	s23 =	smov.u32 s21;
	s21 =	smov.u32 s22;
	vm5 =	veq.s32 v9, v5;
	p1 =	por !p1, !p4  }
.Ltmp33:
0x37a: {  	s22 =	smov.u32 s0;
	vm5 =	vmand vm4, vm5;
	p1 =	por !p1, !p1;
	vm4 =	vmmov vm2;
	vm2 =	vmmov vm3;
	(pc) =	sbr.rel @p2 .LBB2_57-.Ltmp33, $4  }
0x37b: {  	v12 =	vmctz.xlane vm5;
	s19 =	simm.s32 @p1 $0x1  }
0x37c: {  	v9, _, _ =	vpop (xrf0);
	s8 =	spop (v2sf)  }
0x37d: {  	v10 =	vxor.u32 v6, v10;
	v11 =	vxor.u32 $0x80000000, v12;
	(v2sf) =	vpush v9, $0xF;
	s8 =	sadd.s32 s29, s8;
	s29 =	smov.u32 s28;
	s28 =	smov.u32 s3  }
0x37e: {  	s0 =	sadd.s32 $0x10, s0;
	vm3 =	veq.s32 v10, $0x80000000;
	v8, _, _ =	vpop (xrf0);
	(xrf0) =	vmax.scan.msk.u32 $0xffff, v11;
	s3 =	spop (v2sf);
	s20 =	smov.u32 @p3 s8  }
0x37f: {  	s0 =	sadd.s32 $0x10, s30  }
0x380: {  	s8 =	sadd.s32 s31, s3;
	v9 =	vld [tilespmem:s0+$0x0]  }
0x381: {  	v7 =	vadd.s32 s8, v7  }
0x382: {  	vm5 =	veq.s32 v7, v5  }
0x383: {  	vm4 =	vmand vm4, vm5  }
0x384: {  	v7 =	vmctz.xlane vm4  }
0x385: {  	v10 =	vsel vm3, $0x1, v1;
	v9 =	vxor.u32 v6, v9  }
0x386: {  	(xrf0) =	vadd.scan.msk.s32 $0xffff, v10;
	v7 =	vxor.u32 $0x80000000, v7;
	vm12 =	veq.s32 v9, $0x80000000  }
0x387: {  	(xrf0) =	vmax.scan.msk.u32 $0xffff, v7;
	v7 =	vsel vm12, $0x1, v1  }
0x388: {  	(xrf0) =	vadd.scan.msk.s32 $0xffff, v7;
	_ =	sdelay $0x1  }
0x389: {  	(v2sf) =	vpush v8, $0xF  }
0x38a: {  	v7, _, _ =	vpop (xrf0)  }
0x38b: {  	(v2sf) =	vpush v7, $0xF;
	v7, _, _ =	vpop (xrf0)  }
0x38c: {  	(v2sf) =	vpush v7, $0xF;
	v55, _, _ =	vpop (xrf0)  }
0x38d: {  	(v2sf) =	vpush v55, $0xF;
	v56, _, _ =	vpop (xrf0)  }
0x38e: {  	s31 =	spop (v2sf);
	(v2sf) =	vpush v56, $0xF  }
0x38f: {  	s0 =	sadd.s32 $0x10, s0;
	s1 =	spop (v2sf)  }
0x390: {  	v57 =	vld [tilespmem:s0+$0x0];
	s14 =	sadd.s32 s8, s1  }
0x391: {  	v58 =	vadd.s32 s14, v8  }
0x392: {  	vm2 =	vmmov vm2;
	vm13 =	veq.s32 v58, v5  }
0x393: {  	vm2 =	vmand vm2, vm13  }
0x394: {  	v59 =	vmctz.xlane vm2  }
0x395: {  	v6 =	vxor.u32 v6, v57  }
0x396: {  	vm2 =	veq.s32 v6, $0x80000000;
	v8 =	vxor.u32 $0x80000000, v59  }
0x397: {  	v6 =	vsel vm2, $0x1, v1;
	s1 =	spop (v2sf);
	(xrf0) =	vmax.scan.msk.u32 $0xffff, v8  }
0x398: {  	s9 =	spop (v2sf);
	(xrf0) =	vadd.scan.msk.s32 $0xffff, v6  }
0x399: {  	s9 =	sadd.s32 s14, s9  }
0x39a: {  	v6 =	vadd.s32 s9, v7;
	s3 =	spop (v2sf)  }
0x39b: {  	s10 =	spop (v2sf)  }
0x39c: {  	vm3 =	vmmov vm3;
	vm4 =	vmmov vm12;
	s0 =	spop (v2sf)  }
0x39d: {  	vm3 =	vmmov vm3;
	vm4 =	vmmov vm4;
	vm14 =	veq.s32 v6, v5;
	v6, _, _ =	vpop (xrf0);
	s10 =	sadd.s32 s9, s10;
	s30 =	spop (v2sf)  }
0x39e: {  	vm2 =	vmmov vm2;
	vm3 =	vmand vm3, vm14;
	v7, _, _ =	vpop (xrf0);
	v60 =	vadd.s32 s10, v56;
	s30 =	sadd.s32 s10, s30  }
0x39f: {  	v61 =	vmctz.xlane vm3;
	vm3 =	veq.s32 v60, v5;
	v62 =	vadd.s32 s30, v7  }
0x3a0: {  	vm2 =	vmmov vm2;
	vm3 =	vmand vm4, vm3;
	vm15 =	veq.s32 v62, v5  }
0x3a1: {  	v63 =	vmctz.xlane vm3;
	v5 =	vxor.u32 $0x80000000, v61;
	vm2 =	vmand vm2, vm15  }
0x3a2: {  	(xrf0) =	vmax.scan.msk.u32 $0xffff, v5;
	v5 =	vmctz.xlane vm2  }
0x3a3: {  	p3 =	seq.s32 s19, $0x0;
	p2 =	sge.s32 s8, s18;
	v8 =	vxor.u32 $0x80000000, v63  }
0x3a4: {  	p2 =	por !p3, !p2;
	(xrf0) =	vmax.scan.msk.u32 $0xffff, v8;
	v5 =	vxor.u32 $0x80000000, v5  }
0x3a5: {  	p2 =	por !p2, !p2;
	(v2sf) =	vpush v6, $0xF;
	(xrf0) =	vmax.scan.msk.u32 $0xffff, v5  }
0x3a6: {  	s19 =	simm.s32 @p2 $0x1;
	(v2sf) =	vpush v7, $0xF  }
0x3a7: {  	p4 =	seq.s32 s19, $0x0;
	p5 =	sge.s32 s14, s18  }
0x3a8: {  	p3 =	por !p4, !p5;
	v5, _, _ =	vpop (xrf0)  }
0x3a9: {  	p0 =	por p0, p0;
	p1 =	por p1, p1;
	p3 =	por !p3, !p3;
	(v2sf) =	vpush v5, $0xF  }
0x3aa: {  	p1 =	por p1, p1;
	p2 =	por p2, p2;
	s19 =	simm.s32 @p3 $0x1;
	v5, _, _ =	vpop (xrf0)  }
0x3ab: {  	s8 =	sadd.s32 s29, s31;
	p5 =	seq.s32 s19, $0x0;
	p6 =	sge.s32 s9, s18;
	(v2sf) =	vpush v5, $0xF;
	v5, _, _ =	vpop (xrf0)  }
0x3ac: {  	p2 =	por p2, p2;
	s20 =	smov.u32 @p0 s8;
	p4 =	por !p5, !p6;
	(v2sf) =	vpush v5, $0xF  }
0x3ad: {  	p3 =	por p3, p3;
	s1 =	sadd.s32 s28, s1;
	p0 =	por !p4, !p4  }
0x3ae: {  	s20 =	smov.u32 @p1 s1;
	s19 =	simm.s32 @p0 $0x1;
	p0 =	por p0, p0  }
0x3af: {  	p5 =	seq.s32 s19, $0x0;
	s1 =	sadd.s32 s26, s3;
	p6 =	sge.s32 s10, s18  }
0x3b0: {  	p0 =	por p0, p0;
	s20 =	smov.u32 @p2 s1;
	p6 =	por !p5, !p6  }
0x3b1: {  	p2 =	por p3, p3;
	s0 =	sadd.s32 s24, s0;
	p1 =	por !p6, !p6  }
0x3b2: {  	s9 =	simm.s32 $0x80;
	s20 =	smov.u32 @p2 s0;
	s19 =	simm.s32 @p1 $0x1  }
0x3b3: {  	s10 =	simm.s32 $0x400;
	p4 =	sge.s32 s30, s18;
	p3 =	seq.s32 s19, $0x0  }
0x3b4: {  	p1 =	por p1, p1;
	p2 =	por !p3, !p4;
	s26 =	spop (v2sf)  }
0x3b5: {  	p1 =	por p1, p1;
	p2 =	por !p2, !p2;
	s28 =	spop (v2sf)  }
0x3b6: {  	s19 =	simm.s32 @p2 $0x1;
	p2 =	por p2, p2;
	s1 =	sadd.s32 s30, s28  }
0x3b7: {  	p5 =	seq.s32 s19, $0x0;
	s0 =	sadd.s32 s25, s26;
	p6 =	sge.s32 s1, s18  }
0x3b8: {  	s20 =	smov.u32 @p0 s0;
	p0 =	por !p5, !p6;
	s29 =	spop (v2sf)  }
.Ltmp34:
0x3b9: {  	p0 =	por !p0, !p0;
	s0 =	sadd.s32 s23, s29;
	(pc) =	sbr.rel .LBB2_59-.Ltmp34, $4  }
0x3ba: {  	p0 =	por p0, p0;
	s30 =	spop (v2sf);
	s20 =	smov.u32 @p1 s0  }
0x3bb: {  	p1 =	por p2, p2;
	s0 =	sadd.s32 s21, s30;
	s31 =	spop (v2sf)  }
0x3bc: {  	p0 =	por p0, p0;
	s20 =	smov.u32 @p1 s0;
	s0 =	sadd.s32 s22, s31  }
0x3bd: {  	s1 =	smov.u32 s13;
	s13 =	simm.s32 $0x8000;
	s20 =	smov.u32 @p0 s0  }
.LBB2_7:
.Ltmp35:
0x3be: {  	(pc) =	sbr.rel .LBB2_12-.Ltmp35, $3  }
0x3bf: {  	_ =	sdelay $0x1  }
0x3c0: {  	s23 =	simm.s32 $0x0  }
0x3c1: {  	s19 =	simm.s32 $0x0;
	s20 =	simm.s32 $0x0;
	s21 =	simm.s32 $0x0  }
.LBB2_24:
.Ltmp36:
0x3c2: {  	(pc) =	sbr.rel .LBB2_29-.Ltmp36, $2  }
0x3c3: {  	_ =	sdelay $0x2  }
0x3c4: {  	s25 =	smov.u32 s17;
	s21 =	simm.s32 $0x0;
	s23 =	simm.s32 $0x0  }
.LBB2_39:
.Ltmp37:
0x3c5: {  	(pc) =	sbr.rel .LBB2_44-.Ltmp37, $2  }
0x3c6: {  	_ =	sdelay $0x2  }
0x3c7: {  	s25 =	smov.u32 s17;
	s21 =	simm.s32 $0x0;
	s23 =	simm.s32 $0x0  }
.LBB2_9:
.Ltmp38:
0x3c8: {  	(pc) =	sbr.rel .LBB2_12-.Ltmp38, $3  }
0x3c9: {  	_ =	sdelay $0x1  }
0x3ca: {  	s23 =	simm.s32 $0x0;
	s19 =	simm.s32 $0x0  }
0x3cb: {  	s20 =	simm.s32 $0x0;
	s21 =	simm.s32 $0x0;
	s25 =	simm.s32 $0x800000EF  }
.LBB2_26:
.Ltmp39:
0x3cc: {  	(pc) =	sbr.rel .LBB2_29-.Ltmp39, $3  }
0x3cd: {  	_ =	sdelay $0x1  }
0x3ce: {  	s25 =	smov.u32 s17  }
0x3cf: {  	s21 =	simm.s32 $0x0;
	s23 =	simm.s32 $0x0;
	s28 =	simm.s32 $0x800000EF  }
.LBB2_41:
.Ltmp40:
0x3d0: {  	(pc) =	sbr.rel .LBB2_44-.Ltmp40, $3  }
0x3d1: {  	_ =	sdelay $0x1  }
0x3d2: {  	s25 =	smov.u32 s17  }
0x3d3: {  	s21 =	simm.s32 $0x0;
	s23 =	simm.s32 $0x0;
	s28 =	simm.s32 $0x800000EF  }
.LBB2_18:
.Ltmp41:
0x3d4: {  	(pc) =	sbr.rel .LBB2_22-.Ltmp41, $2  }
0x3d5: {  	_ =	sdelay $0x2  }
0x3d6: {  	s3 =	simm.s32 $0x0  }
.LBB2_33:
.Ltmp42:
0x3d7: {  	(pc) =	sbr.rel .LBB2_37-.Ltmp42, $2  }
0x3d8: {  	_ =	sdelay $0x2  }
0x3d9: {  	s3 =	simm.s32 $0x0  }
.LBB2_48:
.Ltmp43:
0x3da: {  	(pc) =	sbr.rel .LBB2_52-.Ltmp43, $2  }
0x3db: {  	_ =	sdelay $0x2  }
0x3dc: {  	s3 =	simm.s32 $0x0  }
.LBB2_20:
.Ltmp44:
0x3dd: {  	(pc) =	sbr.rel .LBB2_22-.Ltmp44, $2  }
0x3de: {  	_ =	sdelay $0x2  }
0x3df: {  	s3 =	simm.s32 $0x0  }
.LBB2_35:
.Ltmp45:
0x3e0: {  	(pc) =	sbr.rel .LBB2_37-.Ltmp45, $2  }
0x3e1: {  	_ =	sdelay $0x2  }
0x3e2: {  	s3 =	simm.s32 $0x0  }
.LBB2_50:
.Ltmp46:
0x3e3: {  	(pc) =	sbr.rel .LBB2_52-.Ltmp46, $2  }
0x3e4: {  	_ =	sdelay $0x2  }
0x3e5: {  	s3 =	simm.s32 $0x0  }
.LBB2_61:
0x3e6: {  	_ =	sfence.sel $0x180000  }
0x3e7: {  	[bflag:$0x0] =	sbarrier.arrive $0xFFFF  }
0x3e8: {  	_ =	strace $0x90000047  }
0x3e9: {  	s0 =	stileid.u32;
	[bflag:$0x2] =	sbarrier.arrive $0xFFFF  }
0x3ea: {  	p0 =	sne.s32 s0, $0x0;
	s0 =	rddreg [dreg:$0x2]  }
0x3eb: {  	s0 =	sadd.s32 @!p0 $0x100000, s0  }
0x3ec: {  	[sflag:s0] =	ssyncadd.tile.s32 @!p0 $0x1;
	_ =	shalt  }
.Lfunc_end2:
_tile_overlayer_lowered:
.L_overlay_start_2:
0x3ed: {  	(tag) =	ssettag $0x2  }
0x3ee: {  	s0 =	rddreg [dreg:$0x0];
	s2 =	stileid.u32  }
0x3ef: {  	s1 =	rddreg [dreg:$0x1];
	p0 =	sne.s32 s2, $0x0  }
0x3f0: {  	s3 =	rddreg [dreg:$0x2];
	[bflag:$0x3] =	sbarrier.arrive $0xFFFF;
	s2 =	simm.s32 @!p0 $0x1C01  }
0x3f1: {  	[timem:s3], [sflag:s2] =	dma.local @!p0 [hbm:s0], s1  }
0x3f2: {  	s0 =	simm.s32 @!p0 $0x1  }
0x3f3: {  	_ =	swait.ge @!p0 [sflag:s0], s1  }
0x3f4: {  	s1 =	ssub.s32 @!p0 $0x0, s1;
	[sflag:s0] =	ssyncset.done @!p0 $0x0  }
0x3f5: {  	[sflag:s0] =	ssyncadd.s32 @!p0 s1  }
0x3f6: {  	[bflag:$0x3] =	sbarrier.arrive $0xFFFF  }
0x3f7: {  	_ =	shalt  }

</sc_bundles>
